<compile_context>
chip_gen: v7x
topology: tpu7x:2x2x1
jax: 0.10.2.dev20260603
libtpu: 0.0.44.dev20260713+nightly
codegen_flags: <defaults>
</compile_context>

<pallas_src>
import functools

import jax
import jax.numpy as jnp
from jax import lax
from jax.experimental import pallas as pl
from jax.experimental.pallas import tpu as pltpu
from jax.experimental.pallas import tpu_sc as plsc

N, D, H, C, E = 10000, 128, 128, 8, 320000
NP = 10240
NC, NS, VL = 2, 16, 16
CK = 128
CH = -(-E // (NC * NS * CK))
EPAD = NC * NS * CK * CH
SL = NP // NS
WD = 16
RB = 512
G = NP // RB

_mesh = plsc.VectorSubcoreMesh(core_axis_name="c", subcore_axis_name="s")



@functools.partial(
    pl.kernel, mesh=_mesh,
    out_type=jax.ShapeDtypeStruct((NC, NP, D), jnp.float32),
    scratch_types=[
        pltpu.VMEM((CK,), jnp.int32),
        pltpu.VMEM((CK,), jnp.int32),
        pltpu.VMEM((CK, D), jnp.float32),
        pltpu.VMEM_SHARED((NP, D), jnp.float32),
        pltpu.SemaphoreType.DMA,
    ])
def _agg_kernel(hs_hbm, src_hbm, dst_hbm, zer_hbm, out_hbm, src_v, dst_v,
                rows_v, aggsh, sem):
    c = lax.axis_index("c")
    s = lax.axis_index("s")
    wid = c * NS + s
    pltpu.sync_copy(zer_hbm, aggsh.at[pl.ds(s * SL, SL)])
    plsc.subcore_barrier()

    def body(j, carry):
        base = (wid * CH + j) * CK
        pltpu.sync_copy(src_hbm.at[pl.ds(base, CK)], src_v)
        pltpu.sync_copy(dst_hbm.at[pl.ds(base, CK)], dst_v)
        pltpu.async_copy(hs_hbm.at[src_v], rows_v, sem).wait()
        pltpu.sync_copy(rows_v, aggsh.at[dst_v], add=True)
        return carry

    lax.fori_loop(0, CH, body, 0)
    plsc.subcore_barrier()
    pltpu.sync_copy(aggsh.at[pl.ds(s * SL, SL)], out_hbm.at[c, pl.ds(s * SL, SL)])



def _row_ids(i):
    return i * RB + lax.broadcasted_iota(jnp.int32, (RB, 1), 0)


def _t_first_body(x_ref, w_ref, dinv_ref, o_ref):
    i = pl.program_id(0)
    h = lax.dot_general(x_ref[...], w_ref[...], (((1,), (1,)), ((), ())),
                        preferred_element_type=jnp.float32)
    o_ref[...] = jnp.where(_row_ids(i) < N, h * dinv_ref[...], 0.0)


def _t_mid_body(agg_ref, hs_ref, dinv_ref, b_ref, w_ref, o_ref):
    i = pl.program_id(0)
    x = jnp.maximum(dinv_ref[...] * (agg_ref[0] + agg_ref[1] + hs_ref[...])
                    + b_ref[...], 0.0)
    h = lax.dot_general(x, w_ref[...], (((1,), (1,)), ((), ())),
                        preferred_element_type=jnp.float32)
    o_ref[...] = jnp.where(_row_ids(i) < N, h * dinv_ref[...], 0.0)


def _t_final_body(agg_ref, hs_ref, dinv_ref, b_ref, wc_ref, bc_ref, o_ref, acc_ref):
    i = pl.program_id(0)

    @pl.when(i == 0)
    def _():
        acc_ref[...] = jnp.zeros_like(acc_ref)

    x = jnp.maximum(dinv_ref[...] * (agg_ref[0] + agg_ref[1] + hs_ref[...])
                    + b_ref[...], 0.0)
    x = jnp.where(_row_ids(i) < N, x, 0.0)
    acc_ref[...] += jnp.sum(x, axis=0, keepdims=True)

    @pl.when(i == G - 1)
    def _():
        g = acc_ref[...] * (1.0 / N)
        z = lax.dot_general(g, wc_ref[...], (((1,), (1,)), ((), ())),
                            preferred_element_type=jnp.float32) + bc_ref[...]
        o_ref[...] = 1.0 / (1.0 + jnp.exp(-z))


def _t_first(xp, W1, dinv):
    return pl.pallas_call(
        _t_first_body,
        grid=(G,),
        in_specs=[
            pl.BlockSpec((RB, D), lambda i: (i, 0)),
            pl.BlockSpec((H, D), lambda i: (0, 0)),
            pl.BlockSpec((RB, 1), lambda i: (i, 0)),
        ],
        out_specs=pl.BlockSpec((RB, H), lambda i: (i, 0)),
        out_shape=jax.ShapeDtypeStruct((NP, H), jnp.float32),
    )(xp, W1, dinv)


def _t_mid(agg, hs, dinv, b, W):
    return pl.pallas_call(
        _t_mid_body,
        grid=(G,),
        in_specs=[
            pl.BlockSpec((NC, RB, H), lambda i: (0, i, 0)),
            pl.BlockSpec((RB, H), lambda i: (i, 0)),
            pl.BlockSpec((RB, 1), lambda i: (i, 0)),
            pl.BlockSpec((1, H), lambda i: (0, 0)),
            pl.BlockSpec((H, H), lambda i: (0, 0)),
        ],
        out_specs=pl.BlockSpec((RB, H), lambda i: (i, 0)),
        out_shape=jax.ShapeDtypeStruct((NP, H), jnp.float32),
    )(agg, hs, dinv, b, W)


def _t_final(agg, hs, dinv, b, Wc, bc):
    return pl.pallas_call(
        _t_final_body,
        grid=(G,),
        in_specs=[
            pl.BlockSpec((NC, RB, H), lambda i: (0, i, 0)),
            pl.BlockSpec((RB, H), lambda i: (i, 0)),
            pl.BlockSpec((RB, 1), lambda i: (i, 0)),
            pl.BlockSpec((1, H), lambda i: (0, 0)),
            pl.BlockSpec((C, H), lambda i: (0, 0)),
            pl.BlockSpec((1, C), lambda i: (0, 0)),
        ],
        out_specs=pl.BlockSpec((1, C), lambda i: (0, 0)),
        out_shape=jax.ShapeDtypeStruct((1, C), jnp.float32),
        scratch_shapes=[pltpu.VMEM((1, H), jnp.float32)],
    )(agg, hs, dinv, b, Wc, bc)



def kernel(x, edge_index, W1, b1, W2, b2, W3, b3, Wc, bc):
    src = edge_index[0]
    dst = edge_index[1]
    padi = jnp.full((EPAD - E,), N, jnp.int32)
    srcp = jnp.concatenate([src, padi])
    dstp = jnp.concatenate([dst, padi])
    xp = jnp.concatenate([x, jnp.zeros((NP - N, D), x.dtype)], axis=0)

    zerd = jnp.zeros((SL, D), jnp.float32)

    degp = _agg_kernel(jnp.ones((NP, D), jnp.float32), srcp, dstp, zerd)
    deg = degp[0, :, 0] + degp[1, :, 0] + 1.0
    dinv = lax.rsqrt(deg).reshape(NP, 1)

    hs1 = _t_first(xp, W1, dinv)
    agg1 = _agg_kernel(hs1, srcp, dstp, zerd)
    hs2 = _t_mid(agg1, hs1, dinv, b1.reshape(1, H), W2)
    agg2 = _agg_kernel(hs2, srcp, dstp, zerd)
    hs3 = _t_mid(agg2, hs2, dinv, b2.reshape(1, H), W3)
    agg3 = _agg_kernel(hs3, srcp, dstp, zerd)
    return _t_final(agg3, hs3, dinv, b3.reshape(1, H), Wc, bc.reshape(1, C))

# --- scband reference (transcript-rebuilt; emitter-appended) ---
"""Pipeline reference for scband-graph-neural-network-39290360824621 (READ-ONLY COPY).

The authoritative reference and input builder live on the scoring server;
editing this copy changes nothing except your own understanding.
"""

import jax, jax.numpy as jnp
import numpy as np

N = 10000
E = 320000
D = 128
H = 128
C = 8


def _glorot(key, shape):
    fan_in, fan_out = shape[1], shape[0]
    lim = np.sqrt(6.0 / (fan_in + fan_out))
    return jax.random.uniform(key, shape, dtype=jnp.float32, minval=-lim, maxval=lim)


def setup_inputs(seed: int = 0) -> dict:
    key = jax.random.key(seed)
    ks = jax.random.split(key, 10)
    x = jax.random.normal(ks[0], (N, D), dtype=jnp.float32)
    edge_index = jax.random.randint(ks[1], (2, E), 0, N, dtype=jnp.int32)
    W1 = _glorot(ks[2], (H, D)); b1 = jnp.zeros((H,), jnp.float32)
    W2 = _glorot(ks[3], (H, H)); b2 = jnp.zeros((H,), jnp.float32)
    W3 = _glorot(ks[4], (H, H)); b3 = jnp.zeros((H,), jnp.float32)
    Wc = _glorot(ks[5], (C, H)); bc = jnp.zeros((C,), jnp.float32)
    return {"x": x, "edge_index": edge_index, "W1": W1, "b1": b1,
            "W2": W2, "b2": b2, "W3": W3, "b3": b3, "Wc": Wc, "bc": bc}


def _gcn_conv(x, edge_index, W, b):
    # GCNConv: linear transform, add self-loops, symmetric normalization, scatter-add aggregate, bias.
    n = x.shape[0]
    loops = jnp.arange(n, dtype=edge_index.dtype)
    src = jnp.concatenate([edge_index[0], loops])
    dst = jnp.concatenate([edge_index[1], loops])
    deg = jnp.zeros((n,), x.dtype).at[dst].add(1.0)
    dinv = jax.lax.rsqrt(deg)  # deg >= 1 due to self-loops
    norm = dinv[src] * dinv[dst]
    h = x @ W.T
    msg = jnp.take(h, src, axis=0) * norm[:, None]
    out = jnp.zeros((n, h.shape[1]), x.dtype).at[dst].add(msg)
    return out + b


def reference(x, edge_index, W1, b1, W2, b2, W3, b3, Wc, bc):
    # dropout is identity at inference
    h = jax.nn.relu(_gcn_conv(x, edge_index, W1, b1))
    h = jax.nn.relu(_gcn_conv(h, edge_index, W2, b2))
    h = jax.nn.relu(_gcn_conv(h, edge_index, W3, b3))
    g = jnp.mean(h, axis=0, keepdims=True)
    out = g @ Wc.T + bc
    return jax.nn.sigmoid(out)

if __name__ == "__main__":
    import jax
    _d = setup_inputs()
    print(jax.jit(kernel)(*tuple(_d.values())))

</pallas_src>

<mosaic_0001>
#map = affine_map<(d0, d1) -> (0, 0)>
#map1 = affine_map<(d0, d1) -> (0)>
#map2 = affine_map<(d0, d1) -> (0, 0, 0)>
module attributes {stable_mosaic.version = 14 : i64} {
  func.func @_agg_kernel(%arg0: i32, %arg1: i32, %arg2: memref<10240x128xf32, #tpu.memory_space<hbm>>, %arg3: memref<323584xi32, #tpu.memory_space<hbm>>, %arg4: memref<323584xi32, #tpu.memory_space<hbm>>, %arg5: memref<640x128xf32, #tpu.memory_space<hbm>>, %arg6: memref<2x10240x128xf32, #tpu.memory_space<hbm>>, %arg7: memref<128xi32, #tpu.memory_space<vmem>>, %arg8: memref<128xi32, #tpu.memory_space<vmem>>, %arg9: memref<128x128xf32, #tpu.memory_space<vmem>>, %arg10: memref<10240x128xf32, #tpu.memory_space<vmem_shared>>, %arg11: memref<!tpu.dma_semaphore, #tpu.memory_space<semaphore_mem>>) attributes {dimension_semantics = [#tpu.dimension_semantics<core_parallel>, #tpu.dimension_semantics<subcore_parallel>], iteration_bounds = array<i64: 2, 16>, scalar_prefetch = 0 : i64, scratch_operands = 5 : i64, tpu.core_type = #tpu.core_type<sc_vector_subcore>, window_params = [{transform_indices = #map}, {transform_indices = #map1}, {transform_indices = #map1}, {transform_indices = #map}, {transform_indices = #map2}]} {
    %mul3A = arith.constant 16 : i32
    %mul3A_0 = arith.muli %arg0, %mul3A : i32
    %add3A = arith.addi %mul3A_0, %arg1 : i32
    %mul3A_1 = arith.constant 640 : i32
    %mul3A_2 = arith.muli %arg1, %mul3A_1 : i32
    "tpu.region"() ({
      %run_scoped3A = tpu.sem_alloc : memref<!tpu.dma_semaphore, #tpu.memory_space<semaphore_mem>>
      %dma_start3A = arith.constant 0 : i32
      %dma_start3A_13 = tpu.memref_slice %arg10[%mul3A_2, %dma_start3A] : memref<10240x128xf32, #tpu.memory_space<vmem_shared>> -> memref<640x128xf32, #tpu.memory_space<vmem_shared>>
      tpu.enqueue_dma source(%arg5 : memref<640x128xf32, #tpu.memory_space<hbm>>) target(%dma_start3A_13 : memref<640x128xf32, #tpu.memory_space<vmem_shared>>) target_semaphore(%run_scoped3A : memref<!tpu.dma_semaphore, #tpu.memory_space<semaphore_mem>>)
      %dma_wait3A = arith.constant 0 : i32
      %dma_wait3A_14 = tpu.memref_slice %arg10[%mul3A_2, %dma_wait3A] : memref<10240x128xf32, #tpu.memory_space<vmem_shared>> -> memref<640x128xf32, #tpu.memory_space<vmem_shared>>
      tpu.wait_dma2 semaphore(%run_scoped3A : memref<!tpu.dma_semaphore, #tpu.memory_space<semaphore_mem>>) src(%arg5 : memref<640x128xf32, #tpu.memory_space<hbm>>) dst(%dma_wait3A_14 : memref<640x128xf32, #tpu.memory_space<vmem_shared>>)
      tpu.yield
    }) : () -> ()
    %barrier3A = arith.constant 0 : index
    tpu.barrier barrier_id(%barrier3A)
    %scan3A = arith.constant 0 : i32
    %scan3A_3 = arith.constant 0 : i32
    %scan3A_4 = arith.constant 79 : i32
    %scan3A_5 = arith.addi %scan3A_3, %scan3A_4 : i32
    %scan3A_6 = arith.constant 1 : i32
    scf.for %scan3A_13 = %scan3A_3 to %scan3A_5 step %scan3A_6  : i32 {
      %mul3A_14 = arith.constant 79 : i32
      %mul3A_15 = arith.muli %add3A, %mul3A_14 : i32
      %add3A_16 = arith.addi %mul3A_15, %scan3A_13 : i32
      %mul3A_17 = arith.constant 128 : i32
      %mul3A_18 = arith.muli %add3A_16, %mul3A_17 : i32
      "tpu.region"() ({
        %run_scoped3A = tpu.sem_alloc : memref<!tpu.dma_semaphore, #tpu.memory_space<semaphore_mem>>
        %dma_start3A_23 = tpu.memref_slice %arg3[%mul3A_18] : memref<323584xi32, #tpu.memory_space<hbm>> -> memref<128xi32, #tpu.memory_space<hbm>>
        %dma_start3A_24 = tpu.memref_slice %arg3[%mul3A_18] : memref<323584xi32, #tpu.memory_space<hbm>> -> memref<128xi32, #tpu.memory_space<hbm>>
        tpu.enqueue_dma source(%dma_start3A_24 : memref<128xi32, #tpu.memory_space<hbm>>) target(%arg7 : memref<128xi32, #tpu.memory_space<vmem>>) target_semaphore(%run_scoped3A : memref<!tpu.dma_semaphore, #tpu.memory_space<semaphore_mem>>)
        %dma_wait3A_25 = tpu.memref_slice %arg3[%mul3A_18] : memref<323584xi32, #tpu.memory_space<hbm>> -> memref<128xi32, #tpu.memory_space<hbm>>
        %dma_wait3A_26 = tpu.memref_slice %arg3[%mul3A_18] : memref<323584xi32, #tpu.memory_space<hbm>> -> memref<128xi32, #tpu.memory_space<hbm>>
        tpu.wait_dma2 semaphore(%run_scoped3A : memref<!tpu.dma_semaphore, #tpu.memory_space<semaphore_mem>>) src(%dma_wait3A_26 : memref<128xi32, #tpu.memory_space<hbm>>) dst(%arg7 : memref<128xi32, #tpu.memory_space<vmem>>)
        tpu.yield
      }) : () -> ()
      "tpu.region"() ({
        %run_scoped3A = tpu.sem_alloc : memref<!tpu.dma_semaphore, #tpu.memory_space<semaphore_mem>>
        %dma_start3A_23 = tpu.memref_slice %arg4[%mul3A_18] : memref<323584xi32, #tpu.memory_space<hbm>> -> memref<128xi32, #tpu.memory_space<hbm>>
        %dma_start3A_24 = tpu.memref_slice %arg4[%mul3A_18] : memref<323584xi32, #tpu.memory_space<hbm>> -> memref<128xi32, #tpu.memory_space<hbm>>
        tpu.enqueue_dma source(%dma_start3A_24 : memref<128xi32, #tpu.memory_space<hbm>>) target(%arg8 : memref<128xi32, #tpu.memory_space<vmem>>) target_semaphore(%run_scoped3A : memref<!tpu.dma_semaphore, #tpu.memory_space<semaphore_mem>>)
        %dma_wait3A_25 = tpu.memref_slice %arg4[%mul3A_18] : memref<323584xi32, #tpu.memory_space<hbm>> -> memref<128xi32, #tpu.memory_space<hbm>>
        %dma_wait3A_26 = tpu.memref_slice %arg4[%mul3A_18] : memref<323584xi32, #tpu.memory_space<hbm>> -> memref<128xi32, #tpu.memory_space<hbm>>
        tpu.wait_dma2 semaphore(%run_scoped3A : memref<!tpu.dma_semaphore, #tpu.memory_space<semaphore_mem>>) src(%dma_wait3A_26 : memref<128xi32, #tpu.memory_space<hbm>>) dst(%arg8 : memref<128xi32, #tpu.memory_space<vmem>>)
        tpu.yield
      }) : () -> ()
      %dma_start3A = arith.constant 0 : i32
      %dma_start3A_19 = arith.constant 0 : i32
      %dma_start3A_20 = tpu.memref_slice %arg2[%dma_start3A, %dma_start3A_19] : memref<10240x128xf32, #tpu.memory_space<hbm>> -> memref<10240x128xf32, #tpu.memory_space<hbm>>
      tpu.enqueue_indirect_dma source(%dma_start3A_20 : memref<10240x128xf32, #tpu.memory_space<hbm>>) target(%arg9 : memref<128x128xf32, #tpu.memory_space<vmem>>) offsets(%arg7 : memref<128xi32, #tpu.memory_space<vmem>>) semaphore(%arg11 : memref<!tpu.dma_semaphore, #tpu.memory_space<semaphore_mem>>)
      %dma_wait3A = arith.constant 0 : i32
      %dma_wait3A_21 = arith.constant 0 : i32
      %dma_wait3A_22 = tpu.memref_slice %arg2[%dma_wait3A, %dma_wait3A_21] : memref<10240x128xf32, #tpu.memory_space<hbm>> -> memref<10240x128xf32, #tpu.memory_space<hbm>>
      tpu.wait_indirect_dma semaphore(%arg11 : memref<!tpu.dma_semaphore, #tpu.memory_space<semaphore_mem>>) src(%dma_wait3A_22 : memref<10240x128xf32, #tpu.memory_space<hbm>>) dst(%arg9 : memref<128x128xf32, #tpu.memory_space<vmem>>)
      "tpu.region"() ({
        %run_scoped3A = tpu.sem_alloc : memref<!tpu.dma_semaphore, #tpu.memory_space<semaphore_mem>>
        %dma_start3A_23 = arith.constant 0 : i32
        %dma_start3A_24 = arith.constant 0 : i32
        %dma_start3A_25 = tpu.memref_slice %arg10[%dma_start3A_23, %dma_start3A_24] : memref<10240x128xf32, #tpu.memory_space<vmem_shared>> -> memref<10240x128xf32, #tpu.memory_space<vmem_shared>>
        tpu.enqueue_indirect_dma source(%arg9 : memref<128x128xf32, #tpu.memory_space<vmem>>) target(%dma_start3A_25 : memref<10240x128xf32, #tpu.memory_space<vmem_shared>>) offsets(%arg8 : memref<128xi32, #tpu.memory_space<vmem>>) semaphore(%run_scoped3A : memref<!tpu.dma_semaphore, #tpu.memory_space<semaphore_mem>>) {add = true}
        %dma_wait3A_26 = arith.constant 0 : i32
        %dma_wait3A_27 = arith.constant 0 : i32
        %dma_wait3A_28 = tpu.memref_slice %arg10[%dma_wait3A_26, %dma_wait3A_27] : memref<10240x128xf32, #tpu.memory_space<vmem_shared>> -> memref<10240x128xf32, #tpu.memory_space<vmem_shared>>
        tpu.wait_indirect_dma semaphore(%run_scoped3A : memref<!tpu.dma_semaphore, #tpu.memory_space<semaphore_mem>>) src(%arg9 : memref<128x128xf32, #tpu.memory_space<vmem>>) dst(%dma_wait3A_28 : memref<10240x128xf32, #tpu.memory_space<vmem_shared>>)
        tpu.yield
      }) : () -> ()
    }
    %scan3A_7 = arith.constant 79 : i32
    %barrier3A_8 = arith.constant 0 : index
    tpu.barrier barrier_id(%barrier3A_8)
    %mul3A_9 = arith.constant 640 : i32
    %mul3A_10 = arith.muli %arg1, %mul3A_9 : i32
    %mul3A_11 = arith.constant 640 : i32
    %mul3A_12 = arith.muli %arg1, %mul3A_11 : i32
    "tpu.region"() ({
      %run_scoped3A = tpu.sem_alloc : memref<!tpu.dma_semaphore, #tpu.memory_space<semaphore_mem>>
      %dma_start3A = arith.constant 0 : i32
      %dma_start3A_13 = tpu.memref_slice %arg6[%arg0, %mul3A_12, %dma_start3A] : memref<2x10240x128xf32, #tpu.memory_space<hbm>> -> memref<1x640x128xf32, #tpu.memory_space<hbm>>
      %dma_start3A_14 = tpu.memref_squeeze %dma_start3A_13 : memref<1x640x128xf32, #tpu.memory_space<hbm>> -> memref<640x128xf32, #tpu.memory_space<hbm>>
      %dma_start3A_15 = arith.constant 0 : i32
      %dma_start3A_16 = tpu.memref_slice %arg10[%mul3A_10, %dma_start3A_15] : memref<10240x128xf32, #tpu.memory_space<vmem_shared>> -> memref<640x128xf32, #tpu.memory_space<vmem_shared>>
      tpu.enqueue_dma source(%dma_start3A_16 : memref<640x128xf32, #tpu.memory_space<vmem_shared>>) target(%dma_start3A_14 : memref<640x128xf32, #tpu.memory_space<hbm>>) target_semaphore(%run_scoped3A : memref<!tpu.dma_semaphore, #tpu.memory_space<semaphore_mem>>)
      %dma_wait3A = arith.constant 0 : i32
      %dma_wait3A_17 = tpu.memref_slice %arg6[%arg0, %mul3A_12, %dma_wait3A] : memref<2x10240x128xf32, #tpu.memory_space<hbm>> -> memref<1x640x128xf32, #tpu.memory_space<hbm>>
      %dma_wait3A_18 = tpu.memref_squeeze %dma_wait3A_17 : memref<1x640x128xf32, #tpu.memory_space<hbm>> -> memref<640x128xf32, #tpu.memory_space<hbm>>
      %dma_wait3A_19 = arith.constant 0 : i32
      %dma_wait3A_20 = tpu.memref_slice %arg10[%mul3A_10, %dma_wait3A_19] : memref<10240x128xf32, #tpu.memory_space<vmem_shared>> -> memref<640x128xf32, #tpu.memory_space<vmem_shared>>
      tpu.wait_dma2 semaphore(%run_scoped3A : memref<!tpu.dma_semaphore, #tpu.memory_space<semaphore_mem>>) src(%dma_wait3A_20 : memref<640x128xf32, #tpu.memory_space<vmem_shared>>) dst(%dma_wait3A_18 : memref<640x128xf32, #tpu.memory_space<hbm>>)
      tpu.yield
    }) : () -> ()
    return
  }
}

#map = affine_map<(d0, d1) -> (0, 0)>
#map1 = affine_map<(d0, d1) -> (0)>
#map2 = affine_map<(d0, d1) -> (0, 0, 0)>
module attributes {stable_mosaic.version = 14 : i64} {
  func.func @_agg_kernel(%arg0: i32, %arg1: i32, %arg2: memref<10240x128xf32, #tpu.memory_space<hbm>>, %arg3: memref<323584xi32, #tpu.memory_space<hbm>>, %arg4: memref<323584xi32, #tpu.memory_space<hbm>>, %arg5: memref<640x128xf32, #tpu.memory_space<hbm>>, %arg6: memref<2x10240x128xf32, #tpu.memory_space<hbm>>, %arg7: memref<128xi32, #tpu.memory_space<vmem>>, %arg8: memref<128xi32, #tpu.memory_space<vmem>>, %arg9: memref<128x128xf32, #tpu.memory_space<vmem>>, %arg10: memref<10240x128xf32, #tpu.memory_space<vmem_shared>>, %arg11: memref<!tpu.dma_semaphore, #tpu.memory_space<semaphore_mem>>) attributes {dimension_semantics = [#tpu.dimension_semantics<core_parallel>, #tpu.dimension_semantics<subcore_parallel>], iteration_bounds = array<i64: 2, 16>, scalar_prefetch = 0 : i64, scratch_operands = 5 : i64, tpu.core_type = #tpu.core_type<sc_vector_subcore>, window_params = [{transform_indices = #map}, {transform_indices = #map1}, {transform_indices = #map1}, {transform_indices = #map}, {transform_indices = #map2}]} {
    %mul3A = arith.constant 16 : i32
    %mul3A_0 = arith.muli %arg0, %mul3A : i32
    %add3A = arith.addi %mul3A_0, %arg1 : i32
    %mul3A_1 = arith.constant 640 : i32
    %mul3A_2 = arith.muli %arg1, %mul3A_1 : i32
    "tpu.region"() ({
      %run_scoped3A = tpu.sem_alloc : memref<!tpu.dma_semaphore, #tpu.memory_space<semaphore_mem>>
      %dma_start3A = arith.constant 0 : i32
      %dma_start3A_13 = tpu.memref_slice %arg10[%mul3A_2, %dma_start3A] : memref<10240x128xf32, #tpu.memory_space<vmem_shared>> -> memref<640x128xf32, #tpu.memory_space<vmem_shared>>
      tpu.enqueue_dma source(%arg5 : memref<640x128xf32, #tpu.memory_space<hbm>>) target(%dma_start3A_13 : memref<640x128xf32, #tpu.memory_space<vmem_shared>>) target_semaphore(%run_scoped3A : memref<!tpu.dma_semaphore, #tpu.memory_space<semaphore_mem>>)
      %dma_wait3A = arith.constant 0 : i32
      %dma_wait3A_14 = tpu.memref_slice %arg10[%mul3A_2, %dma_wait3A] : memref<10240x128xf32, #tpu.memory_space<vmem_shared>> -> memref<640x128xf32, #tpu.memory_space<vmem_shared>>
      tpu.wait_dma2 semaphore(%run_scoped3A : memref<!tpu.dma_semaphore, #tpu.memory_space<semaphore_mem>>) src(%arg5 : memref<640x128xf32, #tpu.memory_space<hbm>>) dst(%dma_wait3A_14 : memref<640x128xf32, #tpu.memory_space<vmem_shared>>)
      tpu.yield
    }) : () -> ()
    %barrier3A = arith.constant 0 : index
    tpu.barrier barrier_id(%barrier3A)
    %scan3A = arith.constant 0 : i32
    %scan3A_3 = arith.constant 0 : i32
    %scan3A_4 = arith.constant 79 : i32
    %scan3A_5 = arith.addi %scan3A_3, %scan3A_4 : i32
    %scan3A_6 = arith.constant 1 : i32
    scf.for %scan3A_13 = %scan3A_3 to %scan3A_5 step %scan3A_6  : i32 {
      %mul3A_14 = arith.constant 79 : i32
      %mul3A_15 = arith.muli %add3A, %mul3A_14 : i32
      %add3A_16 = arith.addi %mul3A_15, %scan3A_13 : i32
      %mul3A_17 = arith.constant 128 : i32
      %mul3A_18 = arith.muli %add3A_16, %mul3A_17 : i32
      "tpu.region"() ({
        %run_scoped3A = tpu.sem_alloc : memref<!tpu.dma_semaphore, #tpu.memory_space<semaphore_mem>>
        %dma_start3A_23 = tpu.memref_slice %arg3[%mul3A_18] : memref<323584xi32, #tpu.memory_space<hbm>> -> memref<128xi32, #tpu.memory_space<hbm>>
        %dma_start3A_24 = tpu.memref_slice %arg3[%mul3A_18] : memref<323584xi32, #tpu.memory_space<hbm>> -> memref<128xi32, #tpu.memory_space<hbm>>
        tpu.enqueue_dma source(%dma_start3A_24 : memref<128xi32, #tpu.memory_space<hbm>>) target(%arg7 : memref<128xi32, #tpu.memory_space<vmem>>) target_semaphore(%run_scoped3A : memref<!tpu.dma_semaphore, #tpu.memory_space<semaphore_mem>>)
        %dma_wait3A_25 = tpu.memref_slice %arg3[%mul3A_18] : memref<323584xi32, #tpu.memory_space<hbm>> -> memref<128xi32, #tpu.memory_space<hbm>>
        %dma_wait3A_26 = tpu.memref_slice %arg3[%mul3A_18] : memref<323584xi32, #tpu.memory_space<hbm>> -> memref<128xi32, #tpu.memory_space<hbm>>
        tpu.wait_dma2 semaphore(%run_scoped3A : memref<!tpu.dma_semaphore, #tpu.memory_space<semaphore_mem>>) src(%dma_wait3A_26 : memref<128xi32, #tpu.memory_space<hbm>>) dst(%arg7 : memref<128xi32, #tpu.memory_space<vmem>>)
        tpu.yield
      }) : () -> ()
      "tpu.region"() ({
        %run_scoped3A = tpu.sem_alloc : memref<!tpu.dma_semaphore, #tpu.memory_space<semaphore_mem>>
        %dma_start3A_23 = tpu.memref_slice %arg4[%mul3A_18] : memref<323584xi32, #tpu.memory_space<hbm>> -> memref<128xi32, #tpu.memory_space<hbm>>
        %dma_start3A_24 = tpu.memref_slice %arg4[%mul3A_18] : memref<323584xi32, #tpu.memory_space<hbm>> -> memref<128xi32, #tpu.memory_space<hbm>>
        tpu.enqueue_dma source(%dma_start3A_24 : memref<128xi32, #tpu.memory_space<hbm>>) target(%arg8 : memref<128xi32, #tpu.memory_space<vmem>>) target_semaphore(%run_scoped3A : memref<!tpu.dma_semaphore, #tpu.memory_space<semaphore_mem>>)
        %dma_wait3A_25 = tpu.memref_slice %arg4[%mul3A_18] : memref<323584xi32, #tpu.memory_space<hbm>> -> memref<128xi32, #tpu.memory_space<hbm>>
        %dma_wait3A_26 = tpu.memref_slice %arg4[%mul3A_18] : memref<323584xi32, #tpu.memory_space<hbm>> -> memref<128xi32, #tpu.memory_space<hbm>>
        tpu.wait_dma2 semaphore(%run_scoped3A : memref<!tpu.dma_semaphore, #tpu.memory_space<semaphore_mem>>) src(%dma_wait3A_26 : memref<128xi32, #tpu.memory_space<hbm>>) dst(%arg8 : memref<128xi32, #tpu.memory_space<vmem>>)
        tpu.yield
      }) : () -> ()
      %dma_start3A = arith.constant 0 : i32
      %dma_start3A_19 = arith.constant 0 : i32
      %dma_start3A_20 = tpu.memref_slice %arg2[%dma_start3A, %dma_start3A_19] : memref<10240x128xf32, #tpu.memory_space<hbm>> -> memref<10240x128xf32, #tpu.memory_space<hbm>>
      tpu.enqueue_indirect_dma source(%dma_start3A_20 : memref<10240x128xf32, #tpu.memory_space<hbm>>) target(%arg9 : memref<128x128xf32, #tpu.memory_space<vmem>>) offsets(%arg7 : memref<128xi32, #tpu.memory_space<vmem>>) semaphore(%arg11 : memref<!tpu.dma_semaphore, #tpu.memory_space<semaphore_mem>>)
      %dma_wait3A = arith.constant 0 : i32
      %dma_wait3A_21 = arith.constant 0 : i32
      %dma_wait3A_22 = tpu.memref_slice %arg2[%dma_wait3A, %dma_wait3A_21] : memref<10240x128xf32, #tpu.memory_space<hbm>> -> memref<10240x128xf32, #tpu.memory_space<hbm>>
      tpu.wait_indirect_dma semaphore(%arg11 : memref<!tpu.dma_semaphore, #tpu.memory_space<semaphore_mem>>) src(%dma_wait3A_22 : memref<10240x128xf32, #tpu.memory_space<hbm>>) dst(%arg9 : memref<128x128xf32, #tpu.memory_space<vmem>>)
      "tpu.region"() ({
        %run_scoped3A = tpu.sem_alloc : memref<!tpu.dma_semaphore, #tpu.memory_space<semaphore_mem>>
        %dma_start3A_23 = arith.constant 0 : i32
        %dma_start3A_24 = arith.constant 0 : i32
        %dma_start3A_25 = tpu.memref_slice %arg10[%dma_start3A_23, %dma_start3A_24] : memref<10240x128xf32, #tpu.memory_space<vmem_shared>> -> memref<10240x128xf32, #tpu.memory_space<vmem_shared>>
        tpu.enqueue_indirect_dma source(%arg9 : memref<128x128xf32, #tpu.memory_space<vmem>>) target(%dma_start3A_25 : memref<10240x128xf32, #tpu.memory_space<vmem_shared>>) offsets(%arg8 : memref<128xi32, #tpu.memory_space<vmem>>) semaphore(%run_scoped3A : memref<!tpu.dma_semaphore, #tpu.memory_space<semaphore_mem>>) {add = true}
        %dma_wait3A_26 = arith.constant 0 : i32
        %dma_wait3A_27 = arith.constant 0 : i32
        %dma_wait3A_28 = tpu.memref_slice %arg10[%dma_wait3A_26, %dma_wait3A_27] : memref<10240x128xf32, #tpu.memory_space<vmem_shared>> -> memref<10240x128xf32, #tpu.memory_space<vmem_shared>>
        tpu.wait_indirect_dma semaphore(%run_scoped3A : memref<!tpu.dma_semaphore, #tpu.memory_space<semaphore_mem>>) src(%arg9 : memref<128x128xf32, #tpu.memory_space<vmem>>) dst(%dma_wait3A_28 : memref<10240x128xf32, #tpu.memory_space<vmem_shared>>)
        tpu.yield
      }) : () -> ()
    }
    %scan3A_7 = arith.constant 79 : i32
    %barrier3A_8 = arith.constant 0 : index
    tpu.barrier barrier_id(%barrier3A_8)
    %mul3A_9 = arith.constant 640 : i32
    %mul3A_10 = arith.muli %arg1, %mul3A_9 : i32
    %mul3A_11 = arith.constant 640 : i32
    %mul3A_12 = arith.muli %arg1, %mul3A_11 : i32
    "tpu.region"() ({
      %run_scoped3A = tpu.sem_alloc : memref<!tpu.dma_semaphore, #tpu.memory_space<semaphore_mem>>
      %dma_start3A = arith.constant 0 : i32
      %dma_start3A_13 = tpu.memref_slice %arg6[%arg0, %mul3A_12, %dma_start3A] : memref<2x10240x128xf32, #tpu.memory_space<hbm>> -> memref<1x640x128xf32, #tpu.memory_space<hbm>>
      %dma_start3A_14 = tpu.memref_squeeze %dma_start3A_13 : memref<1x640x128xf32, #tpu.memory_space<hbm>> -> memref<640x128xf32, #tpu.memory_space<hbm>>
      %dma_start3A_15 = arith.constant 0 : i32
      %dma_start3A_16 = tpu.memref_slice %arg10[%mul3A_10, %dma_start3A_15] : memref<10240x128xf32, #tpu.memory_space<vmem_shared>> -> memref<640x128xf32, #tpu.memory_space<vmem_shared>>
      tpu.enqueue_dma source(%dma_start3A_16 : memref<640x128xf32, #tpu.memory_space<vmem_shared>>) target(%dma_start3A_14 : memref<640x128xf32, #tpu.memory_space<hbm>>) target_semaphore(%run_scoped3A : memref<!tpu.dma_semaphore, #tpu.memory_space<semaphore_mem>>)
      %dma_wait3A = arith.constant 0 : i32
      %dma_wait3A_17 = tpu.memref_slice %arg6[%arg0, %mul3A_12, %dma_wait3A] : memref<2x10240x128xf32, #tpu.memory_space<hbm>> -> memref<1x640x128xf32, #tpu.memory_space<hbm>>
      %dma_wait3A_18 = tpu.memref_squeeze %dma_wait3A_17 : memref<1x640x128xf32, #tpu.memory_space<hbm>> -> memref<640x128xf32, #tpu.memory_space<hbm>>
      %dma_wait3A_19 = arith.constant 0 : i32
      %dma_wait3A_20 = tpu.memref_slice %arg10[%mul3A_10, %dma_wait3A_19] : memref<10240x128xf32, #tpu.memory_space<vmem_shared>> -> memref<640x128xf32, #tpu.memory_space<vmem_shared>>
      tpu.wait_dma2 semaphore(%run_scoped3A : memref<!tpu.dma_semaphore, #tpu.memory_space<semaphore_mem>>) src(%dma_wait3A_20 : memref<640x128xf32, #tpu.memory_space<vmem_shared>>) dst(%dma_wait3A_18 : memref<640x128xf32, #tpu.memory_space<hbm>>)
      tpu.yield
    }) : () -> ()
    return
  }
}

#map = affine_map<(d0, d1) -> (0, 0)>
#map1 = affine_map<(d0, d1) -> (0)>
#map2 = affine_map<(d0, d1) -> (0, 0, 0)>
module attributes {stable_mosaic.version = 14 : i64} {
  func.func @_agg_kernel(%arg0: i32, %arg1: i32, %arg2: memref<10240x128xf32, #tpu.memory_space<hbm>>, %arg3: memref<323584xi32, #tpu.memory_space<hbm>>, %arg4: memref<323584xi32, #tpu.memory_space<hbm>>, %arg5: memref<640x128xf32, #tpu.memory_space<hbm>>, %arg6: memref<2x10240x128xf32, #tpu.memory_space<hbm>>, %arg7: memref<128xi32, #tpu.memory_space<vmem>>, %arg8: memref<128xi32, #tpu.memory_space<vmem>>, %arg9: memref<128x128xf32, #tpu.memory_space<vmem>>, %arg10: memref<10240x128xf32, #tpu.memory_space<vmem_shared>>, %arg11: memref<!tpu.dma_semaphore, #tpu.memory_space<semaphore_mem>>) attributes {dimension_semantics = [#tpu.dimension_semantics<core_parallel>, #tpu.dimension_semantics<subcore_parallel>], iteration_bounds = array<i64: 2, 16>, scalar_prefetch = 0 : i64, scratch_operands = 5 : i64, tpu.core_type = #tpu.core_type<sc_vector_subcore>, window_params = [{transform_indices = #map}, {transform_indices = #map1}, {transform_indices = #map1}, {transform_indices = #map}, {transform_indices = #map2}]} {
    %mul3A = arith.constant 16 : i32
    %mul3A_0 = arith.muli %arg0, %mul3A : i32
    %add3A = arith.addi %mul3A_0, %arg1 : i32
    %mul3A_1 = arith.constant 640 : i32
    %mul3A_2 = arith.muli %arg1, %mul3A_1 : i32
    "tpu.region"() ({
      %run_scoped3A = tpu.sem_alloc : memref<!tpu.dma_semaphore, #tpu.memory_space<semaphore_mem>>
      %dma_start3A = arith.constant 0 : i32
      %dma_start3A_13 = tpu.memref_slice %arg10[%mul3A_2, %dma_start3A] : memref<10240x128xf32, #tpu.memory_space<vmem_shared>> -> memref<640x128xf32, #tpu.memory_space<vmem_shared>>
      tpu.enqueue_dma source(%arg5 : memref<640x128xf32, #tpu.memory_space<hbm>>) target(%dma_start3A_13 : memref<640x128xf32, #tpu.memory_space<vmem_shared>>) target_semaphore(%run_scoped3A : memref<!tpu.dma_semaphore, #tpu.memory_space<semaphore_mem>>)
      %dma_wait3A = arith.constant 0 : i32
      %dma_wait3A_14 = tpu.memref_slice %arg10[%mul3A_2, %dma_wait3A] : memref<10240x128xf32, #tpu.memory_space<vmem_shared>> -> memref<640x128xf32, #tpu.memory_space<vmem_shared>>
      tpu.wait_dma2 semaphore(%run_scoped3A : memref<!tpu.dma_semaphore, #tpu.memory_space<semaphore_mem>>) src(%arg5 : memref<640x128xf32, #tpu.memory_space<hbm>>) dst(%dma_wait3A_14 : memref<640x128xf32, #tpu.memory_space<vmem_shared>>)
      tpu.yield
    }) : () -> ()
    %barrier3A = arith.constant 0 : index
    tpu.barrier barrier_id(%barrier3A)
    %scan3A = arith.constant 0 : i32
    %scan3A_3 = arith.constant 0 : i32
    %scan3A_4 = arith.constant 79 : i32
    %scan3A_5 = arith.addi %scan3A_3, %scan3A_4 : i32
    %scan3A_6 = arith.constant 1 : i32
    scf.for %scan3A_13 = %scan3A_3 to %scan3A_5 step %scan3A_6  : i32 {
      %mul3A_14 = arith.constant 79 : i32
      %mul3A_15 = arith.muli %add3A, %mul3A_14 : i32
      %add3A_16 = arith.addi %mul3A_15, %scan3A_13 : i32
      %mul3A_17 = arith.constant 128 : i32
      %mul3A_18 = arith.muli %add3A_16, %mul3A_17 : i32
      "tpu.region"() ({
        %run_scoped3A = tpu.sem_alloc : memref<!tpu.dma_semaphore, #tpu.memory_space<semaphore_mem>>
        %dma_start3A_23 = tpu.memref_slice %arg3[%mul3A_18] : memref<323584xi32, #tpu.memory_space<hbm>> -> memref<128xi32, #tpu.memory_space<hbm>>
        %dma_start3A_24 = tpu.memref_slice %arg3[%mul3A_18] : memref<323584xi32, #tpu.memory_space<hbm>> -> memref<128xi32, #tpu.memory_space<hbm>>
        tpu.enqueue_dma source(%dma_start3A_24 : memref<128xi32, #tpu.memory_space<hbm>>) target(%arg7 : memref<128xi32, #tpu.memory_space<vmem>>) target_semaphore(%run_scoped3A : memref<!tpu.dma_semaphore, #tpu.memory_space<semaphore_mem>>)
        %dma_wait3A_25 = tpu.memref_slice %arg3[%mul3A_18] : memref<323584xi32, #tpu.memory_space<hbm>> -> memref<128xi32, #tpu.memory_space<hbm>>
        %dma_wait3A_26 = tpu.memref_slice %arg3[%mul3A_18] : memref<323584xi32, #tpu.memory_space<hbm>> -> memref<128xi32, #tpu.memory_space<hbm>>
        tpu.wait_dma2 semaphore(%run_scoped3A : memref<!tpu.dma_semaphore, #tpu.memory_space<semaphore_mem>>) src(%dma_wait3A_26 : memref<128xi32, #tpu.memory_space<hbm>>) dst(%arg7 : memref<128xi32, #tpu.memory_space<vmem>>)
        tpu.yield
      }) : () -> ()
      "tpu.region"() ({
        %run_scoped3A = tpu.sem_alloc : memref<!tpu.dma_semaphore, #tpu.memory_space<semaphore_mem>>
        %dma_start3A_23 = tpu.memref_slice %arg4[%mul3A_18] : memref<323584xi32, #tpu.memory_space<hbm>> -> memref<128xi32, #tpu.memory_space<hbm>>
        %dma_start3A_24 = tpu.memref_slice %arg4[%mul3A_18] : memref<323584xi32, #tpu.memory_space<hbm>> -> memref<128xi32, #tpu.memory_space<hbm>>
        tpu.enqueue_dma source(%dma_start3A_24 : memref<128xi32, #tpu.memory_space<hbm>>) target(%arg8 : memref<128xi32, #tpu.memory_space<vmem>>) target_semaphore(%run_scoped3A : memref<!tpu.dma_semaphore, #tpu.memory_space<semaphore_mem>>)
        %dma_wait3A_25 = tpu.memref_slice %arg4[%mul3A_18] : memref<323584xi32, #tpu.memory_space<hbm>> -> memref<128xi32, #tpu.memory_space<hbm>>
        %dma_wait3A_26 = tpu.memref_slice %arg4[%mul3A_18] : memref<323584xi32, #tpu.memory_space<hbm>> -> memref<128xi32, #tpu.memory_space<hbm>>
        tpu.wait_dma2 semaphore(%run_scoped3A : memref<!tpu.dma_semaphore, #tpu.memory_space<semaphore_mem>>) src(%dma_wait3A_26 : memref<128xi32, #tpu.memory_space<hbm>>) dst(%arg8 : memref<128xi32, #tpu.memory_space<vmem>>)
        tpu.yield
      }) : () -> ()
      %dma_start3A = arith.constant 0 : i32
      %dma_start3A_19 = arith.constant 0 : i32
      %dma_start3A_20 = tpu.memref_slice %arg2[%dma_start3A, %dma_start3A_19] : memref<10240x128xf32, #tpu.memory_space<hbm>> -> memref<10240x128xf32, #tpu.memory_space<hbm>>
      tpu.enqueue_indirect_dma source(%dma_start3A_20 : memref<10240x128xf32, #tpu.memory_space<hbm>>) target(%arg9 : memref<128x128xf32, #tpu.memory_space<vmem>>) offsets(%arg7 : memref<128xi32, #tpu.memory_space<vmem>>) semaphore(%arg11 : memref<!tpu.dma_semaphore, #tpu.memory_space<semaphore_mem>>)
      %dma_wait3A = arith.constant 0 : i32
      %dma_wait3A_21 = arith.constant 0 : i32
      %dma_wait3A_22 = tpu.memref_slice %arg2[%dma_wait3A, %dma_wait3A_21] : memref<10240x128xf32, #tpu.memory_space<hbm>> -> memref<10240x128xf32, #tpu.memory_space<hbm>>
      tpu.wait_indirect_dma semaphore(%arg11 : memref<!tpu.dma_semaphore, #tpu.memory_space<semaphore_mem>>) src(%dma_wait3A_22 : memref<10240x128xf32, #tpu.memory_space<hbm>>) dst(%arg9 : memref<128x128xf32, #tpu.memory_space<vmem>>)
      "tpu.region"() ({
        %run_scoped3A = tpu.sem_alloc : memref<!tpu.dma_semaphore, #tpu.memory_space<semaphore_mem>>
        %dma_start3A_23 = arith.constant 0 : i32
        %dma_start3A_24 = arith.constant 0 : i32
        %dma_start3A_25 = tpu.memref_slice %arg10[%dma_start3A_23, %dma_start3A_24] : memref<10240x128xf32, #tpu.memory_space<vmem_shared>> -> memref<10240x128xf32, #tpu.memory_space<vmem_shared>>
        tpu.enqueue_indirect_dma source(%arg9 : memref<128x128xf32, #tpu.memory_space<vmem>>) target(%dma_start3A_25 : memref<10240x128xf32, #tpu.memory_space<vmem_shared>>) offsets(%arg8 : memref<128xi32, #tpu.memory_space<vmem>>) semaphore(%run_scoped3A : memref<!tpu.dma_semaphore, #tpu.memory_space<semaphore_mem>>) {add = true}
        %dma_wait3A_26 = arith.constant 0 : i32
        %dma_wait3A_27 = arith.constant 0 : i32
        %dma_wait3A_28 = tpu.memref_slice %arg10[%dma_wait3A_26, %dma_wait3A_27] : memref<10240x128xf32, #tpu.memory_space<vmem_shared>> -> memref<10240x128xf32, #tpu.memory_space<vmem_shared>>
        tpu.wait_indirect_dma semaphore(%run_scoped3A : memref<!tpu.dma_semaphore, #tpu.memory_space<semaphore_mem>>) src(%arg9 : memref<128x128xf32, #tpu.memory_space<vmem>>) dst(%dma_wait3A_28 : memref<10240x128xf32, #tpu.memory_space<vmem_shared>>)
        tpu.yield
      }) : () -> ()
    }
    %scan3A_7 = arith.constant 79 : i32
    %barrier3A_8 = arith.constant 0 : index
    tpu.barrier barrier_id(%barrier3A_8)
    %mul3A_9 = arith.constant 640 : i32
    %mul3A_10 = arith.muli %arg1, %mul3A_9 : i32
    %mul3A_11 = arith.constant 640 : i32
    %mul3A_12 = arith.muli %arg1, %mul3A_11 : i32
    "tpu.region"() ({
      %run_scoped3A = tpu.sem_alloc : memref<!tpu.dma_semaphore, #tpu.memory_space<semaphore_mem>>
      %dma_start3A = arith.constant 0 : i32
      %dma_start3A_13 = tpu.memref_slice %arg6[%arg0, %mul3A_12, %dma_start3A] : memref<2x10240x128xf32, #tpu.memory_space<hbm>> -> memref<1x640x128xf32, #tpu.memory_space<hbm>>
      %dma_start3A_14 = tpu.memref_squeeze %dma_start3A_13 : memref<1x640x128xf32, #tpu.memory_space<hbm>> -> memref<640x128xf32, #tpu.memory_space<hbm>>
      %dma_start3A_15 = arith.constant 0 : i32
      %dma_start3A_16 = tpu.memref_slice %arg10[%mul3A_10, %dma_start3A_15] : memref<10240x128xf32, #tpu.memory_space<vmem_shared>> -> memref<640x128xf32, #tpu.memory_space<vmem_shared>>
      tpu.enqueue_dma source(%dma_start3A_16 : memref<640x128xf32, #tpu.memory_space<vmem_shared>>) target(%dma_start3A_14 : memref<640x128xf32, #tpu.memory_space<hbm>>) target_semaphore(%run_scoped3A : memref<!tpu.dma_semaphore, #tpu.memory_space<semaphore_mem>>)
      %dma_wait3A = arith.constant 0 : i32
      %dma_wait3A_17 = tpu.memref_slice %arg6[%arg0, %mul3A_12, %dma_wait3A] : memref<2x10240x128xf32, #tpu.memory_space<hbm>> -> memref<1x640x128xf32, #tpu.memory_space<hbm>>
      %dma_wait3A_18 = tpu.memref_squeeze %dma_wait3A_17 : memref<1x640x128xf32, #tpu.memory_space<hbm>> -> memref<640x128xf32, #tpu.memory_space<hbm>>
      %dma_wait3A_19 = arith.constant 0 : i32
      %dma_wait3A_20 = tpu.memref_slice %arg10[%mul3A_10, %dma_wait3A_19] : memref<10240x128xf32, #tpu.memory_space<vmem_shared>> -> memref<640x128xf32, #tpu.memory_space<vmem_shared>>
      tpu.wait_dma2 semaphore(%run_scoped3A : memref<!tpu.dma_semaphore, #tpu.memory_space<semaphore_mem>>) src(%dma_wait3A_20 : memref<640x128xf32, #tpu.memory_space<vmem_shared>>) dst(%dma_wait3A_18 : memref<640x128xf32, #tpu.memory_space<hbm>>)
      tpu.yield
    }) : () -> ()
    return
  }
}

#map = affine_map<(d0, d1) -> (0, 0)>
#map1 = affine_map<(d0, d1) -> (0)>
#map2 = affine_map<(d0, d1) -> (0, 0, 0)>
module attributes {stable_mosaic.version = 14 : i64} {
  func.func @_agg_kernel(%arg0: i32, %arg1: i32, %arg2: memref<10240x128xf32, #tpu.memory_space<hbm>>, %arg3: memref<323584xi32, #tpu.memory_space<hbm>>, %arg4: memref<323584xi32, #tpu.memory_space<hbm>>, %arg5: memref<640x128xf32, #tpu.memory_space<hbm>>, %arg6: memref<2x10240x128xf32, #tpu.memory_space<hbm>>, %arg7: memref<128xi32, #tpu.memory_space<vmem>>, %arg8: memref<128xi32, #tpu.memory_space<vmem>>, %arg9: memref<128x128xf32, #tpu.memory_space<vmem>>, %arg10: memref<10240x128xf32, #tpu.memory_space<vmem_shared>>, %arg11: memref<!tpu.dma_semaphore, #tpu.memory_space<semaphore_mem>>) attributes {dimension_semantics = [#tpu.dimension_semantics<core_parallel>, #tpu.dimension_semantics<subcore_parallel>], iteration_bounds = array<i64: 2, 16>, scalar_prefetch = 0 : i64, scratch_operands = 5 : i64, tpu.core_type = #tpu.core_type<sc_vector_subcore>, window_params = [{transform_indices = #map}, {transform_indices = #map1}, {transform_indices = #map1}, {transform_indices = #map}, {transform_indices = #map2}]} {
    %mul3A = arith.constant 16 : i32
    %mul3A_0 = arith.muli %arg0, %mul3A : i32
    %add3A = arith.addi %mul3A_0, %arg1 : i32
    %mul3A_1 = arith.constant 640 : i32
    %mul3A_2 = arith.muli %arg1, %mul3A_1 : i32
    "tpu.region"() ({
      %run_scoped3A = tpu.sem_alloc : memref<!tpu.dma_semaphore, #tpu.memory_space<semaphore_mem>>
      %dma_start3A = arith.constant 0 : i32
      %dma_start3A_13 = tpu.memref_slice %arg10[%mul3A_2, %dma_start3A] : memref<10240x128xf32, #tpu.memory_space<vmem_shared>> -> memref<640x128xf32, #tpu.memory_space<vmem_shared>>
      tpu.enqueue_dma source(%arg5 : memref<640x128xf32, #tpu.memory_space<hbm>>) target(%dma_start3A_13 : memref<640x128xf32, #tpu.memory_space<vmem_shared>>) target_semaphore(%run_scoped3A : memref<!tpu.dma_semaphore, #tpu.memory_space<semaphore_mem>>)
      %dma_wait3A = arith.constant 0 : i32
      %dma_wait3A_14 = tpu.memref_slice %arg10[%mul3A_2, %dma_wait3A] : memref<10240x128xf32, #tpu.memory_space<vmem_shared>> -> memref<640x128xf32, #tpu.memory_space<vmem_shared>>
      tpu.wait_dma2 semaphore(%run_scoped3A : memref<!tpu.dma_semaphore, #tpu.memory_space<semaphore_mem>>) src(%arg5 : memref<640x128xf32, #tpu.memory_space<hbm>>) dst(%dma_wait3A_14 : memref<640x128xf32, #tpu.memory_space<vmem_shared>>)
      tpu.yield
    }) : () -> ()
    %barrier3A = arith.constant 0 : index
    tpu.barrier barrier_id(%barrier3A)
    %scan3A = arith.constant 0 : i32
    %scan3A_3 = arith.constant 0 : i32
    %scan3A_4 = arith.constant 79 : i32
    %scan3A_5 = arith.addi %scan3A_3, %scan3A_4 : i32
    %scan3A_6 = arith.constant 1 : i32
    scf.for %scan3A_13 = %scan3A_3 to %scan3A_5 step %scan3A_6  : i32 {
      %mul3A_14 = arith.constant 79 : i32
      %mul3A_15 = arith.muli %add3A, %mul3A_14 : i32
      %add3A_16 = arith.addi %mul3A_15, %scan3A_13 : i32
      %mul3A_17 = arith.constant 128 : i32
      %mul3A_18 = arith.muli %add3A_16, %mul3A_17 : i32
      "tpu.region"() ({
        %run_scoped3A = tpu.sem_alloc : memref<!tpu.dma_semaphore, #tpu.memory_space<semaphore_mem>>
        %dma_start3A_23 = tpu.memref_slice %arg3[%mul3A_18] : memref<323584xi32, #tpu.memory_space<hbm>> -> memref<128xi32, #tpu.memory_space<hbm>>
        %dma_start3A_24 = tpu.memref_slice %arg3[%mul3A_18] : memref<323584xi32, #tpu.memory_space<hbm>> -> memref<128xi32, #tpu.memory_space<hbm>>
        tpu.enqueue_dma source(%dma_start3A_24 : memref<128xi32, #tpu.memory_space<hbm>>) target(%arg7 : memref<128xi32, #tpu.memory_space<vmem>>) target_semaphore(%run_scoped3A : memref<!tpu.dma_semaphore, #tpu.memory_space<semaphore_mem>>)
        %dma_wait3A_25 = tpu.memref_slice %arg3[%mul3A_18] : memref<323584xi32, #tpu.memory_space<hbm>> -> memref<128xi32, #tpu.memory_space<hbm>>
        %dma_wait3A_26 = tpu.memref_slice %arg3[%mul3A_18] : memref<323584xi32, #tpu.memory_space<hbm>> -> memref<128xi32, #tpu.memory_space<hbm>>
        tpu.wait_dma2 semaphore(%run_scoped3A : memref<!tpu.dma_semaphore, #tpu.memory_space<semaphore_mem>>) src(%dma_wait3A_26 : memref<128xi32, #tpu.memory_space<hbm>>) dst(%arg7 : memref<128xi32, #tpu.memory_space<vmem>>)
        tpu.yield
      }) : () -> ()
      "tpu.region"() ({
        %run_scoped3A = tpu.sem_alloc : memref<!tpu.dma_semaphore, #tpu.memory_space<semaphore_mem>>
        %dma_start3A_23 = tpu.memref_slice %arg4[%mul3A_18] : memref<323584xi32, #tpu.memory_space<hbm>> -> memref<128xi32, #tpu.memory_space<hbm>>
        %dma_start3A_24 = tpu.memref_slice %arg4[%mul3A_18] : memref<323584xi32, #tpu.memory_space<hbm>> -> memref<128xi32, #tpu.memory_space<hbm>>
        tpu.enqueue_dma source(%dma_start3A_24 : memref<128xi32, #tpu.memory_space<hbm>>) target(%arg8 : memref<128xi32, #tpu.memory_space<vmem>>) target_semaphore(%run_scoped3A : memref<!tpu.dma_semaphore, #tpu.memory_space<semaphore_mem>>)
        %dma_wait3A_25 = tpu.memref_slice %arg4[%mul3A_18] : memref<323584xi32, #tpu.memory_space<hbm>> -> memref<128xi32, #tpu.memory_space<hbm>>
        %dma_wait3A_26 = tpu.memref_slice %arg4[%mul3A_18] : memref<323584xi32, #tpu.memory_space<hbm>> -> memref<128xi32, #tpu.memory_space<hbm>>
        tpu.wait_dma2 semaphore(%run_scoped3A : memref<!tpu.dma_semaphore, #tpu.memory_space<semaphore_mem>>) src(%dma_wait3A_26 : memref<128xi32, #tpu.memory_space<hbm>>) dst(%arg8 : memref<128xi32, #tpu.memory_space<vmem>>)
        tpu.yield
      }) : () -> ()
      %dma_start3A = arith.constant 0 : i32
      %dma_start3A_19 = arith.constant 0 : i32
      %dma_start3A_20 = tpu.memref_slice %arg2[%dma_start3A, %dma_start3A_19] : memref<10240x128xf32, #tpu.memory_space<hbm>> -> memref<10240x128xf32, #tpu.memory_space<hbm>>
      tpu.enqueue_indirect_dma source(%dma_start3A_20 : memref<10240x128xf32, #tpu.memory_space<hbm>>) target(%arg9 : memref<128x128xf32, #tpu.memory_space<vmem>>) offsets(%arg7 : memref<128xi32, #tpu.memory_space<vmem>>) semaphore(%arg11 : memref<!tpu.dma_semaphore, #tpu.memory_space<semaphore_mem>>)
      %dma_wait3A = arith.constant 0 : i32
      %dma_wait3A_21 = arith.constant 0 : i32
      %dma_wait3A_22 = tpu.memref_slice %arg2[%dma_wait3A, %dma_wait3A_21] : memref<10240x128xf32, #tpu.memory_space<hbm>> -> memref<10240x128xf32, #tpu.memory_space<hbm>>
      tpu.wait_indirect_dma semaphore(%arg11 : memref<!tpu.dma_semaphore, #tpu.memory_space<semaphore_mem>>) src(%dma_wait3A_22 : memref<10240x128xf32, #tpu.memory_space<hbm>>) dst(%arg9 : memref<128x128xf32, #tpu.memory_space<vmem>>)
      "tpu.region"() ({
        %run_scoped3A = tpu.sem_alloc : memref<!tpu.dma_semaphore, #tpu.memory_space<semaphore_mem>>
        %dma_start3A_23 = arith.constant 0 : i32
        %dma_start3A_24 = arith.constant 0 : i32
        %dma_start3A_25 = tpu.memref_slice %arg10[%dma_start3A_23, %dma_start3A_24] : memref<10240x128xf32, #tpu.memory_space<vmem_shared>> -> memref<10240x128xf32, #tpu.memory_space<vmem_shared>>
        tpu.enqueue_indirect_dma source(%arg9 : memref<128x128xf32, #tpu.memory_space<vmem>>) target(%dma_start3A_25 : memref<10240x128xf32, #tpu.memory_space<vmem_shared>>) offsets(%arg8 : memref<128xi32, #tpu.memory_space<vmem>>) semaphore(%run_scoped3A : memref<!tpu.dma_semaphore, #tpu.memory_space<semaphore_mem>>) {add = true}
        %dma_wait3A_26 = arith.constant 0 : i32
        %dma_wait3A_27 = arith.constant 0 : i32
        %dma_wait3A_28 = tpu.memref_slice %arg10[%dma_wait3A_26, %dma_wait3A_27] : memref<10240x128xf32, #tpu.memory_space<vmem_shared>> -> memref<10240x128xf32, #tpu.memory_space<vmem_shared>>
        tpu.wait_indirect_dma semaphore(%run_scoped3A : memref<!tpu.dma_semaphore, #tpu.memory_space<semaphore_mem>>) src(%arg9 : memref<128x128xf32, #tpu.memory_space<vmem>>) dst(%dma_wait3A_28 : memref<10240x128xf32, #tpu.memory_space<vmem_shared>>)
        tpu.yield
      }) : () -> ()
    }
    %scan3A_7 = arith.constant 79 : i32
    %barrier3A_8 = arith.constant 0 : index
    tpu.barrier barrier_id(%barrier3A_8)
    %mul3A_9 = arith.constant 640 : i32
    %mul3A_10 = arith.muli %arg1, %mul3A_9 : i32
    %mul3A_11 = arith.constant 640 : i32
    %mul3A_12 = arith.muli %arg1, %mul3A_11 : i32
    "tpu.region"() ({
      %run_scoped3A = tpu.sem_alloc : memref<!tpu.dma_semaphore, #tpu.memory_space<semaphore_mem>>
      %dma_start3A = arith.constant 0 : i32
      %dma_start3A_13 = tpu.memref_slice %arg6[%arg0, %mul3A_12, %dma_start3A] : memref<2x10240x128xf32, #tpu.memory_space<hbm>> -> memref<1x640x128xf32, #tpu.memory_space<hbm>>
      %dma_start3A_14 = tpu.memref_squeeze %dma_start3A_13 : memref<1x640x128xf32, #tpu.memory_space<hbm>> -> memref<640x128xf32, #tpu.memory_space<hbm>>
      %dma_start3A_15 = arith.constant 0 : i32
      %dma_start3A_16 = tpu.memref_slice %arg10[%mul3A_10, %dma_start3A_15] : memref<10240x128xf32, #tpu.memory_space<vmem_shared>> -> memref<640x128xf32, #tpu.memory_space<vmem_shared>>
      tpu.enqueue_dma source(%dma_start3A_16 : memref<640x128xf32, #tpu.memory_space<vmem_shared>>) target(%dma_start3A_14 : memref<640x128xf32, #tpu.memory_space<hbm>>) target_semaphore(%run_scoped3A : memref<!tpu.dma_semaphore, #tpu.memory_space<semaphore_mem>>)
      %dma_wait3A = arith.constant 0 : i32
      %dma_wait3A_17 = tpu.memref_slice %arg6[%arg0, %mul3A_12, %dma_wait3A] : memref<2x10240x128xf32, #tpu.memory_space<hbm>> -> memref<1x640x128xf32, #tpu.memory_space<hbm>>
      %dma_wait3A_18 = tpu.memref_squeeze %dma_wait3A_17 : memref<1x640x128xf32, #tpu.memory_space<hbm>> -> memref<640x128xf32, #tpu.memory_space<hbm>>
      %dma_wait3A_19 = arith.constant 0 : i32
      %dma_wait3A_20 = tpu.memref_slice %arg10[%mul3A_10, %dma_wait3A_19] : memref<10240x128xf32, #tpu.memory_space<vmem_shared>> -> memref<640x128xf32, #tpu.memory_space<vmem_shared>>
      tpu.wait_dma2 semaphore(%run_scoped3A : memref<!tpu.dma_semaphore, #tpu.memory_space<semaphore_mem>>) src(%dma_wait3A_20 : memref<640x128xf32, #tpu.memory_space<vmem_shared>>) dst(%dma_wait3A_18 : memref<640x128xf32, #tpu.memory_space<hbm>>)
      tpu.yield
    }) : () -> ()
    return
  }
}

module attributes {stable_mosaic.version = 14 : i64} {
  func.func @_t_first_body(%arg0: i32, %arg1: memref<512x128xf32, #tpu.memory_space<vmem>>, %arg2: memref<128x128xf32, #tpu.memory_space<vmem>>, %arg3: memref<512x1xf32, #tpu.memory_space<vmem>>, %arg4: memref<512x128xf32, #tpu.memory_space<vmem>>) attributes {dimension_semantics = [#tpu.dimension_semantics<arbitrary>], iteration_bounds = array<i64: 20>, scalar_prefetch = 0 : i64, scratch_operands = 0 : i64, tpu.core_type = #tpu.core_type<tc>, window_params = [{transform_indices = @transform_0, window_bounds = array<i64: 512, 128>}, {pipeline_mode = #tpu.pipeline_mode<synchronous>, transform_indices = @transform_1, window_bounds = array<i64: 128, 128>}, {transform_indices = @transform_2, window_bounds = array<i64: 512, 1>}, {transform_indices = @transform_3, window_bounds = array<i64: 512, 128>}]} {
    %get3A = arith.constant 0 : index
    %get3A_0 = arith.constant 0 : index
    %get3A_1 = vector.load %arg1[%get3A, %get3A_0] : memref<512x128xf32, #tpu.memory_space<vmem>>, vector<512x128xf32>
    %get3A_2 = arith.constant 0 : index
    %get3A_3 = arith.constant 0 : index
    %get3A_4 = vector.load %arg2[%get3A_2, %get3A_3] : memref<128x128xf32, #tpu.memory_space<vmem>>, vector<128x128xf32>
    %dot_general3A = arith.constant dense<0.000000e+00> : vector<512x128xf32>
    %dot_general3A_5 = tpu.matmul %get3A_1, %get3A_4, %dot_general3A {dimension_numbers = #tpu.dot_dimension_numbers<[1], [1], [0], [0], [0, 0, 1, 0], [], []>, transpose_lhs_hint = false} : vector<512x128xf32>, vector<128x128xf32>, vector<512x128xf32> -> vector<512x128xf32>
    %mul3A = arith.constant 512 : i32
    %mul3A_6 = arith.muli %arg0, %mul3A : i32
    %iota3A = tpu.iota {dimensions = array<i32: 0>} : vector<512x1xi32>
    %add3A = vector.broadcast %mul3A_6 : i32 to vector<512x1xi32>
    %add3A_7 = arith.addi %add3A, %iota3A : vector<512x1xi32>
    %lt3A = arith.constant 10000 : i32
    %lt3A_8 = vector.broadcast %lt3A : i32 to vector<512x1xi32>
    %lt3A_9 = arith.cmpi slt, %add3A_7, %lt3A_8 : vector<512x1xi32>
    %get3A_10 = arith.constant 0 : index
    %get3A_11 = arith.constant 0 : index
    %get3A_12 = vector.load %arg3[%get3A_10, %get3A_11] : memref<512x1xf32, #tpu.memory_space<vmem>>, vector<512x1xf32>
    %mul3A_13 = vector.broadcast %get3A_12 : vector<512x1xf32> to vector<512x128xf32>
    %mul3A_14 = arith.mulf %dot_general3A_5, %mul3A_13 : vector<512x128xf32>
    %jit3A = arith.constant 0.000000e+00 : f32
    %broadcast_in_dim3A = vector.shape_cast %lt3A_9 : vector<512x1xi1> to vector<512x1xi1>
    %broadcast_in_dim3A_15 = vector.broadcast %broadcast_in_dim3A : vector<512x1xi1> to vector<512x128xi1>
    %broadcast_in_dim3A_16 = vector.broadcast %jit3A : f32 to vector<512x128xf32>
    %select_n3A = arith.select %broadcast_in_dim3A_15, %mul3A_14, %broadcast_in_dim3A_16 : vector<512x128xi1>, vector<512x128xf32>
    %swap3A = arith.constant 0 : index
    %swap3A_17 = arith.constant 0 : index
    %swap3A_18 = vector.load %arg4[%swap3A, %swap3A_17] : memref<512x128xf32, #tpu.memory_space<vmem>>, vector<512x128xf32>
    tpu.vector_store %arg4[%swap3A, %swap3A_17], %select_n3A {strides = array<i32>} : memref<512x128xf32, #tpu.memory_space<vmem>>, vector<512x128xf32>,
    return
  }
  func.func @transform_0(%arg0: i32) -> (i32, i32) {
    %c0_i32 = arith.constant 0 : i32
    %c0_i32_0 = arith.constant 0 : i32
    return %arg0, %c0_i32 : i32, i32
  }
  func.func @transform_1(%arg0: i32) -> (i32, i32) {
    %c0_i32 = arith.constant 0 : i32
    %c0_i32_0 = arith.constant 0 : i32
    %c0_i32_1 = arith.constant 0 : i32
    return %c0_i32, %c0_i32_0 : i32, i32
  }
  func.func @transform_2(%arg0: i32) -> (i32, i32) {
    %c0_i32 = arith.constant 0 : i32
    %c0_i32_0 = arith.constant 0 : i32
    return %arg0, %c0_i32 : i32, i32
  }
  func.func @transform_3(%arg0: i32) -> (i32, i32) {
    %c0_i32 = arith.constant 0 : i32
    %c0_i32_0 = arith.constant 0 : i32
    return %arg0, %c0_i32 : i32, i32
  }
}

module attributes {stable_mosaic.version = 14 : i64} {
  func.func @_t_mid_body(%arg0: i32, %arg1: memref<2x512x128xf32, #tpu.memory_space<vmem>>, %arg2: memref<512x128xf32, #tpu.memory_space<vmem>>, %arg3: memref<512x1xf32, #tpu.memory_space<vmem>>, %arg4: memref<1x128xf32, #tpu.memory_space<vmem>>, %arg5: memref<128x128xf32, #tpu.memory_space<vmem>>, %arg6: memref<512x128xf32, #tpu.memory_space<vmem>>) attributes {dimension_semantics = [#tpu.dimension_semantics<arbitrary>], iteration_bounds = array<i64: 20>, scalar_prefetch = 0 : i64, scratch_operands = 0 : i64, tpu.core_type = #tpu.core_type<tc>, window_params = [{transform_indices = @transform_0, window_bounds = array<i64: 2, 512, 128>}, {transform_indices = @transform_1, window_bounds = array<i64: 512, 128>}, {transform_indices = @transform_2, window_bounds = array<i64: 512, 1>}, {pipeline_mode = #tpu.pipeline_mode<synchronous>, transform_indices = @transform_3, window_bounds = array<i64: 1, 128>}, {pipeline_mode = #tpu.pipeline_mode<synchronous>, transform_indices = @transform_4, window_bounds = array<i64: 128, 128>}, {transform_indices = @transform_5, window_bounds = array<i64: 512, 128>}]} {
    %get3A = arith.constant 0 : index
    %get3A_0 = arith.constant 0 : index
    %get3A_1 = vector.load %arg3[%get3A, %get3A_0] : memref<512x1xf32, #tpu.memory_space<vmem>>, vector<512x1xf32>
    %get3A_2 = arith.constant 0 : index
    %get3A_3 = arith.constant 0 : index
    %get3A_4 = arith.constant 0 : index
    %get3A_5 = vector.load %arg1[%get3A_2, %get3A_3, %get3A_4] : memref<2x512x128xf32, #tpu.memory_space<vmem>>, vector<1x512x128xf32>
    %get3A_6 = vector.shape_cast %get3A_5 : vector<1x512x128xf32> to vector<512x128xf32>
    %get3A_7 = arith.constant 1 : index
    %get3A_8 = arith.constant 0 : index
    %get3A_9 = arith.constant 0 : index
    %get3A_10 = vector.load %arg1[%get3A_7, %get3A_8, %get3A_9] : memref<2x512x128xf32, #tpu.memory_space<vmem>>, vector<1x512x128xf32>
    %get3A_11 = vector.shape_cast %get3A_10 : vector<1x512x128xf32> to vector<512x128xf32>
    %add3A = arith.addf %get3A_6, %get3A_11 : vector<512x128xf32>
    %get3A_12 = arith.constant 0 : index
    %get3A_13 = arith.constant 0 : index
    %get3A_14 = vector.load %arg2[%get3A_12, %get3A_13] : memref<512x128xf32, #tpu.memory_space<vmem>>, vector<512x128xf32>
    %add3A_15 = arith.addf %add3A, %get3A_14 : vector<512x128xf32>
    %mul3A = vector.broadcast %get3A_1 : vector<512x1xf32> to vector<512x128xf32>
    %mul3A_16 = arith.mulf %mul3A, %add3A_15 : vector<512x128xf32>
    %get3A_17 = arith.constant 0 : index
    %get3A_18 = arith.constant 0 : index
    %get3A_19 = vector.load %arg4[%get3A_17, %get3A_18] : memref<1x128xf32, #tpu.memory_space<vmem>>, vector<1x128xf32>
    %add3A_20 = vector.broadcast %get3A_19 : vector<1x128xf32> to vector<512x128xf32>
    %add3A_21 = arith.addf %mul3A_16, %add3A_20 : vector<512x128xf32>
    %max3A = arith.constant 0.000000e+00 : f32
    %max3A_22 = vector.broadcast %max3A : f32 to vector<512x128xf32>
    %max3A_23 = arith.maximumf %add3A_21, %max3A_22 : vector<512x128xf32>
    %get3A_24 = arith.constant 0 : index
    %get3A_25 = arith.constant 0 : index
    %get3A_26 = vector.load %arg5[%get3A_24, %get3A_25] : memref<128x128xf32, #tpu.memory_space<vmem>>, vector<128x128xf32>
    %dot_general3A = arith.constant dense<0.000000e+00> : vector<512x128xf32>
    %dot_general3A_27 = tpu.matmul %max3A_23, %get3A_26, %dot_general3A {dimension_numbers = #tpu.dot_dimension_numbers<[1], [1], [0], [0], [0, 0, 1, 0], [], []>, transpose_lhs_hint = false} : vector<512x128xf32>, vector<128x128xf32>, vector<512x128xf32> -> vector<512x128xf32>
    %mul3A_28 = arith.constant 512 : i32
    %mul3A_29 = arith.muli %arg0, %mul3A_28 : i32
    %iota3A = tpu.iota {dimensions = array<i32: 0>} : vector<512x1xi32>
    %add3A_30 = vector.broadcast %mul3A_29 : i32 to vector<512x1xi32>
    %add3A_31 = arith.addi %add3A_30, %iota3A : vector<512x1xi32>
    %lt3A = arith.constant 10000 : i32
    %lt3A_32 = vector.broadcast %lt3A : i32 to vector<512x1xi32>
    %lt3A_33 = arith.cmpi slt, %add3A_31, %lt3A_32 : vector<512x1xi32>
    %get3A_34 = arith.constant 0 : index
    %get3A_35 = arith.constant 0 : index
    %get3A_36 = vector.load %arg3[%get3A_34, %get3A_35] : memref<512x1xf32, #tpu.memory_space<vmem>>, vector<512x1xf32>
    %mul3A_37 = vector.broadcast %get3A_36 : vector<512x1xf32> to vector<512x128xf32>
    %mul3A_38 = arith.mulf %dot_general3A_27, %mul3A_37 : vector<512x128xf32>
    %jit3A = arith.constant 0.000000e+00 : f32
    %broadcast_in_dim3A = vector.shape_cast %lt3A_33 : vector<512x1xi1> to vector<512x1xi1>
    %broadcast_in_dim3A_39 = vector.broadcast %broadcast_in_dim3A : vector<512x1xi1> to vector<512x128xi1>
    %broadcast_in_dim3A_40 = vector.broadcast %jit3A : f32 to vector<512x128xf32>
    %select_n3A = arith.select %broadcast_in_dim3A_39, %mul3A_38, %broadcast_in_dim3A_40 : vector<512x128xi1>, vector<512x128xf32>
    %swap3A = arith.constant 0 : index
    %swap3A_41 = arith.constant 0 : index
    %swap3A_42 = vector.load %arg6[%swap3A, %swap3A_41] : memref<512x128xf32, #tpu.memory_space<vmem>>, vector<512x128xf32>
    tpu.vector_store %arg6[%swap3A, %swap3A_41], %select_n3A {strides = array<i32>} : memref<512x128xf32, #tpu.memory_space<vmem>>, vector<512x128xf32>,
    return
  }
  func.func @transform_0(%arg0: i32) -> (i32, i32, i32) {
    %c0_i32 = arith.constant 0 : i32
    %c0_i32_0 = arith.constant 0 : i32
    %c0_i32_1 = arith.constant 0 : i32
    return %c0_i32, %arg0, %c0_i32_0 : i32, i32, i32
  }
  func.func @transform_1(%arg0: i32) -> (i32, i32) {
    %c0_i32 = arith.constant 0 : i32
    %c0_i32_0 = arith.constant 0 : i32
    return %arg0, %c0_i32 : i32, i32
  }
  func.func @transform_2(%arg0: i32) -> (i32, i32) {
    %c0_i32 = arith.constant 0 : i32
    %c0_i32_0 = arith.constant 0 : i32
    return %arg0, %c0_i32 : i32, i32
  }
  func.func @transform_3(%arg0: i32) -> (i32, i32) {
    %c0_i32 = arith.constant 0 : i32
    %c0_i32_0 = arith.constant 0 : i32
    %c0_i32_1 = arith.constant 0 : i32
    return %c0_i32, %c0_i32_0 : i32, i32
  }
  func.func @transform_4(%arg0: i32) -> (i32, i32) {
    %c0_i32 = arith.constant 0 : i32
    %c0_i32_0 = arith.constant 0 : i32
    %c0_i32_1 = arith.constant 0 : i32
    return %c0_i32, %c0_i32_0 : i32, i32
  }
  func.func @transform_5(%arg0: i32) -> (i32, i32) {
    %c0_i32 = arith.constant 0 : i32
    %c0_i32_0 = arith.constant 0 : i32
    return %arg0, %c0_i32 : i32, i32
  }
}

module attributes {stable_mosaic.version = 14 : i64} {
  func.func @_t_final_body(%arg0: i32, %arg1: memref<2x512x128xf32, #tpu.memory_space<vmem>>, %arg2: memref<512x128xf32, #tpu.memory_space<vmem>>, %arg3: memref<512x1xf32, #tpu.memory_space<vmem>>, %arg4: memref<1x128xf32, #tpu.memory_space<vmem>>, %arg5: memref<8x128xf32, #tpu.memory_space<vmem>>, %arg6: memref<1x8xf32, #tpu.memory_space<vmem>>, %arg7: memref<1x8xf32, #tpu.memory_space<vmem>>, %arg8: memref<1x128xf32, #tpu.memory_space<vmem>>) attributes {dimension_semantics = [#tpu.dimension_semantics<arbitrary>], iteration_bounds = array<i64: 20>, scalar_prefetch = 0 : i64, scratch_operands = 1 : i64, tpu.core_type = #tpu.core_type<tc>, window_params = [{transform_indices = @transform_0, window_bounds = array<i64: 2, 512, 128>}, {transform_indices = @transform_1, window_bounds = array<i64: 512, 128>}, {transform_indices = @transform_2, window_bounds = array<i64: 512, 1>}, {pipeline_mode = #tpu.pipeline_mode<synchronous>, transform_indices = @transform_3, window_bounds = array<i64: 1, 128>}, {pipeline_mode = #tpu.pipeline_mode<synchronous>, transform_indices = @transform_4, window_bounds = array<i64: 8, 128>}, {pipeline_mode = #tpu.pipeline_mode<synchronous>, transform_indices = @transform_5, window_bounds = array<i64: 1, 8>}, {pipeline_mode = #tpu.pipeline_mode<synchronous>, transform_indices = @transform_6, window_bounds = array<i64: 1, 8>}]} {
    %eq3A = arith.constant 0 : i32
    %eq3A_0 = arith.cmpi eq, %arg0, %eq3A : i32
    %convert_element_type3A = arith.extui %eq3A_0 : i1 to i32
    %cond3A = arith.constant 0 : i32
    %cond3A_1 = arith.cmpi ne, %convert_element_type3A, %cond3A : i32
    scf.if %cond3A_1 {
      %broadcast_in_dim3A_47 = arith.constant 0.000000e+00 : f32
      %broadcast_in_dim3A_48 = vector.broadcast %broadcast_in_dim3A_47 : f32 to vector<1x128xf32>
      %swap3A_49 = arith.constant 0 : index
      %swap3A_50 = arith.constant 0 : index
      %swap3A_51 = vector.load %arg8[%swap3A_49, %swap3A_50] : memref<1x128xf32, #tpu.memory_space<vmem>>, vector<1x128xf32>
      tpu.vector_store %arg8[%swap3A_49, %swap3A_50], %broadcast_in_dim3A_48 {strides = array<i32>} : memref<1x128xf32, #tpu.memory_space<vmem>>, vector<1x128xf32>,
    } else {
    }
    %get3A = arith.constant 0 : index
    %get3A_2 = arith.constant 0 : index
    %get3A_3 = vector.load %arg3[%get3A, %get3A_2] : memref<512x1xf32, #tpu.memory_space<vmem>>, vector<512x1xf32>
    %get3A_4 = arith.constant 0 : index
    %get3A_5 = arith.constant 0 : index
    %get3A_6 = arith.constant 0 : index
    %get3A_7 = vector.load %arg1[%get3A_4, %get3A_5, %get3A_6] : memref<2x512x128xf32, #tpu.memory_space<vmem>>, vector<1x512x128xf32>
    %get3A_8 = vector.shape_cast %get3A_7 : vector<1x512x128xf32> to vector<512x128xf32>
    %get3A_9 = arith.constant 1 : index
    %get3A_10 = arith.constant 0 : index
    %get3A_11 = arith.constant 0 : index
    %get3A_12 = vector.load %arg1[%get3A_9, %get3A_10, %get3A_11] : memref<2x512x128xf32, #tpu.memory_space<vmem>>, vector<1x512x128xf32>
    %get3A_13 = vector.shape_cast %get3A_12 : vector<1x512x128xf32> to vector<512x128xf32>
    %add3A = arith.addf %get3A_8, %get3A_13 : vector<512x128xf32>
    %get3A_14 = arith.constant 0 : index
    %get3A_15 = arith.constant 0 : index
    %get3A_16 = vector.load %arg2[%get3A_14, %get3A_15] : memref<512x128xf32, #tpu.memory_space<vmem>>, vector<512x128xf32>
    %add3A_17 = arith.addf %add3A, %get3A_16 : vector<512x128xf32>
    %mul3A = vector.broadcast %get3A_3 : vector<512x1xf32> to vector<512x128xf32>
    %mul3A_18 = arith.mulf %mul3A, %add3A_17 : vector<512x128xf32>
    %get3A_19 = arith.constant 0 : index
    %get3A_20 = arith.constant 0 : index
    %get3A_21 = vector.load %arg4[%get3A_19, %get3A_20] : memref<1x128xf32, #tpu.memory_space<vmem>>, vector<1x128xf32>
    %add3A_22 = vector.broadcast %get3A_21 : vector<1x128xf32> to vector<512x128xf32>
    %add3A_23 = arith.addf %mul3A_18, %add3A_22 : vector<512x128xf32>
    %max3A = arith.constant 0.000000e+00 : f32
    %max3A_24 = vector.broadcast %max3A : f32 to vector<512x128xf32>
    %max3A_25 = arith.maximumf %add3A_23, %max3A_24 : vector<512x128xf32>
    %mul3A_26 = arith.constant 512 : i32
    %mul3A_27 = arith.muli %arg0, %mul3A_26 : i32
    %iota3A = tpu.iota {dimensions = array<i32: 0>} : vector<512x1xi32>
    %add3A_28 = vector.broadcast %mul3A_27 : i32 to vector<512x1xi32>
    %add3A_29 = arith.addi %add3A_28, %iota3A : vector<512x1xi32>
    %lt3A = arith.constant 10000 : i32
    %lt3A_30 = vector.broadcast %lt3A : i32 to vector<512x1xi32>
    %lt3A_31 = arith.cmpi slt, %add3A_29, %lt3A_30 : vector<512x1xi32>
    %jit3A = arith.constant 0.000000e+00 : f32
    %broadcast_in_dim3A = vector.shape_cast %lt3A_31 : vector<512x1xi1> to vector<512x1xi1>
    %broadcast_in_dim3A_32 = vector.broadcast %broadcast_in_dim3A : vector<512x1xi1> to vector<512x128xi1>
    %broadcast_in_dim3A_33 = vector.broadcast %jit3A : f32 to vector<512x128xf32>
    %select_n3A = arith.select %broadcast_in_dim3A_32, %max3A_25, %broadcast_in_dim3A_33 : vector<512x128xi1>, vector<512x128xf32>
    %get3A_34 = arith.constant 0 : index
    %get3A_35 = arith.constant 0 : index
    %get3A_36 = vector.load %arg8[%get3A_34, %get3A_35] : memref<1x128xf32, #tpu.memory_space<vmem>>, vector<1x128xf32>
    %reduce_sum3A = arith.constant dense<0.000000e+00> : vector<128xf32>
    %reduce_sum3A_37 = vector.multi_reduction <add>, %select_n3A, %reduce_sum3A [0] : vector<512x128xf32> to vector<128xf32>
    %broadcast_in_dim3A_38 = vector.shape_cast %reduce_sum3A_37 : vector<128xf32> to vector<1x128xf32>
    %add3A_39 = arith.addf %get3A_36, %broadcast_in_dim3A_38 : vector<1x128xf32>
    %swap3A = arith.constant 0 : index
    %swap3A_40 = arith.constant 0 : index
    %swap3A_41 = vector.load %arg8[%swap3A, %swap3A_40] : memref<1x128xf32, #tpu.memory_space<vmem>>, vector<1x128xf32>
    tpu.vector_store %arg8[%swap3A, %swap3A_40], %add3A_39 {strides = array<i32>} : memref<1x128xf32, #tpu.memory_space<vmem>>, vector<1x128xf32>,
    %eq3A_42 = arith.constant 19 : i32
    %eq3A_43 = arith.cmpi eq, %arg0, %eq3A_42 : i32
    %convert_element_type3A_44 = arith.extui %eq3A_43 : i1 to i32
    %cond3A_45 = arith.constant 0 : i32
    %cond3A_46 = arith.cmpi ne, %convert_element_type3A_44, %cond3A_45 : i32
    scf.if %cond3A_46 {
      %get3A_47 = arith.constant 0 : index
      %get3A_48 = arith.constant 0 : index
      %get3A_49 = vector.load %arg8[%get3A_47, %get3A_48] : memref<1x128xf32, #tpu.memory_space<vmem>>, vector<1x128xf32>
      %mul3A_50 = arith.constant 9.99999974E-5 : f32
      %mul3A_51 = vector.broadcast %mul3A_50 : f32 to vector<1x128xf32>
      %mul3A_52 = arith.mulf %get3A_49, %mul3A_51 : vector<1x128xf32>
      %get3A_53 = arith.constant 0 : index
      %get3A_54 = arith.constant 0 : index
      %get3A_55 = vector.load %arg5[%get3A_53, %get3A_54] : memref<8x128xf32, #tpu.memory_space<vmem>>, vector<8x128xf32>
      %dot_general3A = arith.constant dense<0.000000e+00> : vector<1x8xf32>
      %dot_general3A_56 = tpu.matmul %mul3A_52, %get3A_55, %dot_general3A {dimension_numbers = #tpu.dot_dimension_numbers<[1], [1], [0], [0], [0, 0, 1, 0], [], []>, transpose_lhs_hint = false} : vector<1x128xf32>, vector<8x128xf32>, vector<1x8xf32> -> vector<1x8xf32>
      %get3A_57 = arith.constant 0 : index
      %get3A_58 = arith.constant 0 : index
      %get3A_59 = vector.load %arg6[%get3A_57, %get3A_58] : memref<1x8xf32, #tpu.memory_space<vmem>>, vector<1x8xf32>
      %add3A_60 = arith.addf %dot_general3A_56, %get3A_59 : vector<1x8xf32>
      %neg3A = arith.constant 0.000000e+00 : f32
      %neg3A_61 = vector.broadcast %neg3A : f32 to vector<1x8xf32>
      %neg3A_62 = arith.subf %neg3A_61, %add3A_60 : vector<1x8xf32>
      %exp3A = math.exp %neg3A_62 : vector<1x8xf32>
      %add3A_63 = arith.constant 1.000000e+00 : f32
      %add3A_64 = vector.broadcast %add3A_63 : f32 to vector<1x8xf32>
      %add3A_65 = arith.addf %add3A_64, %exp3A : vector<1x8xf32>
      %div3A = arith.constant 1.000000e+00 : f32
      %div3A_66 = vector.broadcast %div3A : f32 to vector<1x8xf32>
      %div3A_67 = arith.divf %div3A_66, %add3A_65 : vector<1x8xf32>
      %swap3A_68 = arith.constant 0 : index
      %swap3A_69 = arith.constant 0 : index
      %swap3A_70 = vector.load %arg7[%swap3A_68, %swap3A_69] : memref<1x8xf32, #tpu.memory_space<vmem>>, vector<1x8xf32>
      tpu.vector_store %arg7[%swap3A_68, %swap3A_69], %div3A_67 {strides = array<i32>} : memref<1x8xf32, #tpu.memory_space<vmem>>, vector<1x8xf32>,
    } else {
    }
    return
  }
  func.func @transform_0(%arg0: i32) -> (i32, i32, i32) {
    %c0_i32 = arith.constant 0 : i32
    %c0_i32_0 = arith.constant 0 : i32
    %c0_i32_1 = arith.constant 0 : i32
    return %c0_i32, %arg0, %c0_i32_0 : i32, i32, i32
  }
  func.func @transform_1(%arg0: i32) -> (i32, i32) {
    %c0_i32 = arith.constant 0 : i32
    %c0_i32_0 = arith.constant 0 : i32
    return %arg0, %c0_i32 : i32, i32
  }
  func.func @transform_2(%arg0: i32) -> (i32, i32) {
    %c0_i32 = arith.constant 0 : i32
    %c0_i32_0 = arith.constant 0 : i32
    return %arg0, %c0_i32 : i32, i32
  }
  func.func @transform_3(%arg0: i32) -> (i32, i32) {
    %c0_i32 = arith.constant 0 : i32
    %c0_i32_0 = arith.constant 0 : i32
    %c0_i32_1 = arith.constant 0 : i32
    return %c0_i32, %c0_i32_0 : i32, i32
  }
  func.func @transform_4(%arg0: i32) -> (i32, i32) {
    %c0_i32 = arith.constant 0 : i32
    %c0_i32_0 = arith.constant 0 : i32
    %c0_i32_1 = arith.constant 0 : i32
    return %c0_i32, %c0_i32_0 : i32, i32
  }
  func.func @transform_5(%arg0: i32) -> (i32, i32) {
    %c0_i32 = arith.constant 0 : i32
    %c0_i32_0 = arith.constant 0 : i32
    %c0_i32_1 = arith.constant 0 : i32
    return %c0_i32, %c0_i32_0 : i32, i32
  }
  func.func @transform_6(%arg0: i32) -> (i32, i32) {
    %c0_i32 = arith.constant 0 : i32
    %c0_i32_0 = arith.constant 0 : i32
    %c0_i32_1 = arith.constant 0 : i32
    return %c0_i32, %c0_i32_0 : i32, i32
  }
}

</mosaic_0001>

<sc_bundles>
// kernel: kernel.10.cloned.1.call-start
scs
__scs_entry_jumppad:
0x0: {  	(pc) =	sbr.rel $0x88, $3  }
0x1: {  	(tag) =	ssettag $0x0;
	lr =	simm.s32 $0x1  }
0x2: {  	[smem:$0x3F97] =	sst lr;
	_ =	strace $0xD0000000  }
0x3: {  	_ = 	snop  }
0x4: {  	_ = 	snop  }
0x5: {  	_ = 	snop  }
0x6: {  	_ = 	snop  }
0x7: {  	_ = 	snop  }
__scs_overlays_trampoline_lowered:
0x8: {  	[smem:$0x3FA6] =	sst s0  }
0x9: {  	[smem:$0x3FA7] =	sst s1  }
0xa: {  	[smem:$0x3FA8] =	sst s2  }
0xb: {  	[smem:$0x3FA9] =	sst s3  }
0xc: {  	[smem:$0x3FAA] =	sst s4  }
0xd: {  	[smem:$0x3FAB] =	sst s5  }
0xe: {  	[smem:$0x3FAC] =	sst s6  }
0xf: {  	[smem:$0x3FAD] =	sst s7  }
0x10: {  	[smem:$0x3FAE] =	sst s8  }
0x11: {  	[smem:$0x3FAF] =	sst s9;
	s0 =	simm.s32 @!p0 $0x0  }
0x12: {  	s1 =	sld [smem:$0x3F95];
	s0 =	simm.s32 @p0 $0x1  }
0x13: {  	[smem:$0x3FB0] =	sst s0;
	s0 =	simm.s32 @!p1 $0x0  }
0x14: {  	s2 =	sld [smem:$0x3F94];
	s0 =	simm.s32 @p1 $0x1  }
0x15: {  	[smem:$0x3FB1] =	sst s0;
	s0 =	simm.s32 @!p2 $0x0  }
0x16: {  	s3 =	sld [smem:$0x3FDB];
	s0 =	simm.s32 @p2 $0x1  }
0x17: {  	s4 =	simm.s32 $0x1BF5;
	[smem:$0x3FB3] =	sst s0  }
0x18: {  	s0 =	sld [smem:$0x3F96];
	_ =	swait.ge [sflag:s4], $0x0  }
0x19: {  	s7 =	sld [smem:$0x3F97]  }
0x1a: {  	s8 =	sadd.s32 $0xFFFFE003, lr  }
0x1b: {  	s9 =	sadd.s32 $0xFFFFFEF7, lr;
	s5 =	simm.s32 $0xFFFFFFFF;
	p2 =	slt.u32 s8, $0xFFFFF086  }
0x1c: {  	p1 =	slt.u32 s9, $0xF7A;
	s5 =	simm.s32 @!p2 $0x0  }
0x1d: {  	s5 =	simm.s32 @p1 $0x1;
	p0 =	seq.s32 s7, s2  }
0x1e: {  	s7 =	smul.u32 @!p0 $0xF7A, s2;
	p2 =	seq.s32 @!p0 s5, $0x0  }
0x1f: {  	s9 =	smul.u32 $0xF7A, s1;
	s8 =	simm.s32 @!p0 $0x1BF5;
	p2 =	por !p2, p0  }
0x20: {  	[sflag:s8] =	ssyncset.s32 @!p0 $0xFFFFF086;
	s6 =	sadd.s32 @!p0 s3, s7;
	s7 =	simm.s32 @!p0 $0x108  }
0x21: {  	s3 =	sadd.s32 s3, s9;
	s6 =	sadd.s32 @!p0 $0x88, s6;
	s7 =	simm.s32 @p2 $0x1082  }
0x22: {  	[simem:s7], [sflag:s8] =	dma.local @!p0 [hbm:s6], $0xF7A  }
0x23: {  	s9 =	sor.u32 $0xD0000000, s2;
	s6 =	simm.s32 $0x108;
	_ =	swait.ge @!p0 [sflag:s8], $0x0  }
0x24: {  	s3 =	sadd.s32 $0x88, s3;
	s6 =	simm.s32 @!p1 $0x1082;
	[sflag:s4] =	ssyncset.s32 $0xFFFFF086  }
0x25: {  	[simem:s6], [sflag:s4] =	dma.local [hbm:s3], $0xF7A  }
0x26: {  	[smem:$0x3F97] =	sst s1;
	(tag) =	ssettag s2;
	_ =	strace s9  }
0x27: {  	s1 =	sld [smem:$0x3FA7]  }
0x28: {  	s2 =	sld [smem:$0x3FA8]  }
0x29: {  	s4 =	sld [smem:$0x3FAA]  }
0x2a: {  	p0 =	seq.s32 s5, $0x0;
	s5 =	sld [smem:$0x3FAB]  }
0x2b: {  	s6 =	sld [smem:$0x3FAC]  }
0x2c: {  	s7 =	sld [smem:$0x3FAD]  }
0x2d: {  	s3 =	simm.s32 $0x108;
	s8 =	sld [smem:$0x3FAE]  }
0x2e: {  	s3 =	simm.s32 @!p0 $0x1082;
	s9 =	sld [smem:$0x3FAF]  }
0x2f: {  	lr =	sadd.s32 s0, s3;
	s0 =	sld [smem:$0x3FA6]  }
0x30: {  	s3 =	sld [smem:$0x3FA9]  }
0x31: {  	[smem:$0x3FB2] =	sst s10  }
0x32: {  	s10 =	sld [smem:$0x3FB0];
	_ =	sdelay $0x3  }
0x33: {  	p0 =	seq.s32 s10, $0x1;
	s10 =	sld [smem:$0x3FB2];
	_ =	sdelay $0x3  }
0x34: {  	[smem:$0x3FB2] =	sst s10  }
0x35: {  	s10 =	sld [smem:$0x3FB1];
	_ =	sdelay $0x3  }
0x36: {  	p1 =	seq.s32 s10, $0x1;
	s10 =	sld [smem:$0x3FB2];
	_ =	sdelay $0x3  }
0x37: {  	[smem:$0x3FB2] =	sst s10  }
0x38: {  	s10 =	sld [smem:$0x3FB3]  }
0x39: {  	_ = 	snop;
	(pc) =	sbr.ind lr, $3  }
0x3a: {  	_ = 	snop  }
0x3b: {  	_ = 	snop  }
0x3c: {  	p2 =	seq.s32 s10, $0x1;
	s10 =	sld [smem:$0x3FB2]  }
0x3d: {  	_ =	shalt  }
0x3e: {  	_ =	shalt  }
0x3f: {  	_ =	shalt  }
0x40: {  	_ =	shalt  }
0x41: {  	_ =	shalt  }
0x42: {  	_ =	shalt  }
0x43: {  	_ =	shalt  }
0x44: {  	_ =	shalt  }
0x45: {  	_ =	shalt  }
0x46: {  	_ =	shalt  }
0x47: {  	_ =	shalt  }
0x48: {  	_ =	shalt  }
0x49: {  	_ =	shalt  }
0x4a: {  	_ =	shalt  }
0x4b: {  	_ =	shalt  }
0x4c: {  	_ =	shalt  }
0x4d: {  	_ =	shalt  }
0x4e: {  	_ =	shalt  }
0x4f: {  	_ =	shalt  }
0x50: {  	_ =	shalt  }
0x51: {  	_ =	shalt  }
0x52: {  	_ =	shalt  }
0x53: {  	_ =	shalt  }
0x54: {  	_ =	shalt  }
0x55: {  	_ =	shalt  }
0x56: {  	_ =	shalt  }
0x57: {  	_ =	shalt  }
0x58: {  	_ =	shalt  }
0x59: {  	_ =	shalt  }
0x5a: {  	_ =	shalt  }
0x5b: {  	_ =	shalt  }
0x5c: {  	_ =	shalt  }
0x5d: {  	_ =	shalt  }
0x5e: {  	_ =	shalt  }
0x5f: {  	_ =	shalt  }
0x60: {  	_ =	shalt  }
0x61: {  	_ =	shalt  }
0x62: {  	_ =	shalt  }
0x63: {  	_ =	shalt  }
0x64: {  	_ =	shalt  }
0x65: {  	_ =	shalt  }
0x66: {  	_ =	shalt  }
0x67: {  	_ =	shalt  }
0x68: {  	_ =	shalt  }
0x69: {  	_ =	shalt  }
0x6a: {  	_ =	shalt  }
0x6b: {  	_ =	shalt  }
0x6c: {  	_ =	shalt  }
0x6d: {  	_ =	shalt  }
0x6e: {  	_ =	shalt  }
0x6f: {  	_ =	shalt  }
0x70: {  	_ =	shalt  }
0x71: {  	_ =	shalt  }
0x72: {  	_ =	shalt  }
0x73: {  	_ =	shalt  }
0x74: {  	_ =	shalt  }
0x75: {  	_ =	shalt  }
0x76: {  	_ =	shalt  }
0x77: {  	_ =	shalt  }
0x78: {  	_ =	shalt  }
0x79: {  	_ =	shalt  }
0x7a: {  	_ =	shalt  }
0x7b: {  	_ =	shalt  }
0x7c: {  	_ =	shalt  }
0x7d: {  	_ =	shalt  }
0x7e: {  	_ =	shalt  }
0x7f: {  	_ =	shalt  }
0x80: {  	_ =	shalt  }
0x81: {  	_ =	shalt  }
0x82: {  	_ =	shalt  }
0x83: {  	_ =	shalt  }
0x84: {  	_ =	shalt  }
0x85: {  	_ =	shalt  }
0x86: {  	_ =	shalt  }
0x87: {  	_ =	shalt  }
.Lfunc_end0:
.L_simem_size_0:
called_computation_lowered:
.L_overlay_start_0:
0x88: {  	s2 =	sld [smem:$0x3FD9]  }
0x89: {  	s3 =	sld [smem:$0x3FFE];
	_ =	sdelay $0x1  }
0x8a: {  	s1 =	srdreg.scid  }
0x8b: {  	s0 =	sand.u32 $0x1, s1  }
0x8c: {  	s16 =	sshll.u32 s0, $0xA;
	s2 =	sadd.s32 s3, s2  }
0x8d: {  	s2 =	sadd.s32 s2, s16  }
0x8e: {  	[smem:$0x3FBE] =	sst s2  }
0x8f: {  	_ = 	snop  }
0x90: {  	(tm) =	ssettm $0x1  }
0x91: {  	s17 =	sld [smem:$0x3FFB];
	_ =	sdelay $0x3  }
0x92: {  	_ =	strace s17  }
0x93: {  	s2 =	sld [smem:$0x3FFC];
	_ =	sdelay $0x3  }
0x94: {  	_ =	strace s2  }
0x95: {  	s2 =	sld [smem:$0x3FFD];
	_ =	sdelay $0x3  }
0x96: {  	_ =	strace s2  }
0x97: {  	_ =	strace $0x8FFFFFFF  }
0x98: {  	s18 =	sld [smem:$0x3FDB];
	_ =	sdelay $0x1  }
0x99: {  	s19 =	simm.s32 $_scs_section_size  }
0x9a: {  	s4 =	simm.s32 $_size__tile_overlayer_lowered;
	s5 =	simm.s32 $_tile_overlayer_lowered  }
0x9b: {  	s22 =	simm.s32 $0x1BFF;
	s21 =	sshll.u32 s5, $0x1;
	s2 =	sadd.s32 s19, s18  }
0x9c: {  	s6 =	simm.s32 $0x0;
	s20 =	sshll.u32 s4, $0x1;
	s4 =	sadd.s32 s21, s2  }
0x9d: {  	[timem:s6], [sflag:s22] =	dma.local [hbm:s4], s20  }
0x9e: {  	_ =	swait.ge [sflag:s22], s20  }
0x9f: {  	s3 =	ssub.s32 $0x0, s20;
	[sflag:s22] =	ssyncset.done $0x0  }
0xa0: {  	[sflag:s22] =	ssyncadd.s32 s3;
	_ =	sdelay $0x1  }
0xa1: {  	s23 =	simm.s32 $0x1B8B  }
0xa2: {  	_ =	swait.ge [sflag:s23], $0x1  }
0xa3: {  	[sflag:s23] =	ssyncset.done $0x0  }
0xa4: {  	s25 =	simm.s32 $0x1B8E;
	s24 =	sld [smem:$0x3FFE];
	[sflag:s23] =	ssyncadd.s32 $0xFFFFFFFF  }
0xa5: {  	s26 =	simm.s32 $execute0_lowered;
	[smem:$0x3FD2] =	sst s25  }
0xa6: {  	s4 =	sshll.u32 s26, $0x1;
	_ =	strace $0x80000046;
	[dreg:$0x1] =	wrdreg $0xFFFFFFFF  }
0xa7: {  	s28 =	simm.s32 $_size_execute0_lowered;
	s2 =	sadd.s32 s2, s4;
	[dreg:$0x0] =	wrdreg $0x0  }
0xa8: {  	s4 =	sshll.u32 s28, $0x1;
	[dreg:$0x2] =	wrdreg s2  }
0xa9: {  	[dreg:$0x3] =	wrdreg s4  }
0xaa: {  	[dreg:$0x4] =	wrdreg $0xC0  }
0xab: {  	_ =	task [dreg:s6], $0x5FFFF  }
0xac: {  	[dreg:$0x1] =	wrdreg $0xFFFFFFFF  }
0xad: {  	[dreg:$0x0] =	wrdreg $0x60  }
0xae: {  	[dreg:$0x2] =	wrdreg s24  }
0xaf: {  	[dreg:$0x3] =	wrdreg $0x41000  }
0xb0: {  	[dreg:$0x4] =	wrdreg $0x9  }
0xb1: {  	_ =	task.clear_ibuf [dreg:s6], $0x5FFFF;
	_ =	strace $0x90000046  }
0xb2: {  	s29 =	simm.s32 $0x9;
	_ =	strace $0x80000048  }
0xb3: {  	_ =	swait.ge [sflag:s29], $0x1  }
0xb4: {  	[sflag:s29] =	ssyncadd.s32 $0xFFFFFFFF  }
0xb5: {  	_ =	strace $0x90000048  }
0xb6: {  	_ =	sfence  }
0xb7: {  	s30 =	sld [smem:$0x0];
	_ =	sdelay $0x2  }
0xb8: {  	s31 =	sshll.u32 s1, $0xD;
	s1 =	sshrl.u32 s1, $0x2  }
0xb9: {  	s3 =	sand.u32 $0x4000, s31;
	s1 =	sadd.s32 s1, s30  }
0xba: {  	s0 =	sor.u32 s3, s0;
	s1 =	sshll.u32 s1, $0x11  }
0xbb: {  	s0 =	sor.u32 s1, s0  }
0xbc: {  	s0 =	sadd.s32 $0x8F2B, s0  }
0xbd: {  	[sflag:s0] =	ssyncadd.remote.s32 $0x1  }
0xbe: {  	_ =	sfence.sel $0xFFFF  }
0xbf: {  	[dreg:$0x0] =	wrdreg $0xFFFFFFFF;
	(pc) =	sbr.abs _section_cstart, $3  }
0xc0: {  	[dreg:$0x1] =	wrdreg $0xFFFFFFFF  }
0xc1: {  	_ =	task.clear_ibuf [dreg:s6], $0x2FFFF;
	_ =	strace $0x9FFFFFFF  }
0xc2: {  	(tm) =	ssettm $0x7FFFFFFF  }
0xc3: {  	_ =	shalt  }
tec
execute0_lowered:
.L_overlay_start_1:
0x0: {  	(tag) =	ssettag $0x1  }
0x1: {  	s6 =	rddreg [dreg:$0x0];
	s0 =	srdreg.scid  }
0x2: {  	s2 =	rddreg [dreg:$0x1];
	s1 =	stileid.u32;
	s3 =	simm.s32 $0x0  }
0x3: {  	s14 =	simm.s32 $0x100;
	s15 =	simm.s32 $0x1;
	s8 =	smul.u32 $0x14000, s1  }
0x4: {  	s7 =	sand.u32 $0x1, s0;
	s0 =	rddreg [dreg:$0x2];
	s10 =	smul.u32 $0x50000, s1  }
0x5: {  	s16 =	simm.s32 $0x0;
	[smem:$0x7FF] =	sst s3;
	s11 =	smul.u32 $0x4F0, s1  }
0x6: {  	s4 =	sadd.s32 $0x19200, s6;
	s30 =	sshll.u32 s1, $0x6;
	s5 =	smul.u32 $0x140000, s7  }
0x7: {  	s9 =	smul.u32 $0x4F00, s7;
	_ =	strace $0x80000047;
	s29 =	ssub.s32 $0x2, s7  }
0x8: {  	s7 =	sshrl.u32 s29, $0x1;
	s10 =	sshrl.u32 s10, $0x2;
	s5 =	sadd.s32 s8, s5  }
0x9: {  	s26 =	sadd.s32 s9, s6;
	s12 =	ssub.s32 s29, s7;
	s13 =	sadd.s32 s10, s2  }
0xa: {  	s28 =	sshrl.u32 s5, $0x3;
	s5 =	sadd.s32 $0x16A00, s6;
	s31 =	sadd.s32 s11, s26  }
0xb: {  	s8 =	smax.u32 s12, $0x1;
	s11 =	sshrl.u32 s13, $0x3;
	s12 =	simm.s32 $0x2  }
0xc: {  	s13 =	simm.s32 $0x80;
	s9 =	sadd.s32 s28, s6;
	s6 =	sor.u32 $0x1C02, s30  }
0xd: {  	s10 =	sadd.s32 $0xCC00, s31;
	s7 =	sadd.s32 $0x41200, s9;
	s9 =	sadd.s32 $0x2E00, s31  }
.LBB2_1:
0xe: {  	[spmem:s11], [sflag:s6] =	dma.local [hbm:s5], $0x2800  }
0xf: {  	_ =	swait.ge [sflag:s12], $0x2800  }
0x10: {  	[sflag:s12] =	ssyncset.done $0x0  }
0x11: {  	[sflag:s12] =	ssyncadd.s32 $0xFFFFD800  }
0x12: {  	s17 =	sadd.s32 $0x0, s10;
	[bflag:$0x0] =	sbarrier.arrive $0xFFFF  }
0x13: {  	[tilespmem:s3], [sflag:$0x2] =	stream.linear.gather [hbm4b:s17+s3], $0x80, $0x38;
	[tilespmem:$0x18100] =	vst v63  }
0x14: {  	_ =	swait.ge [sflag:s12], $0x80  }
0x15: {  	[sflag:s12] =	ssyncset.done $0x0  }
0x16: {  	s31 =	sadd.s32 $0x0, s9;
	[sflag:s12] =	ssyncadd.s32 $0xFFFFFF80  }
0x17: {  	[tilespmem:s13], [sflag:$0x2] =	stream.linear.gather [hbm4b:s31+s3], $0x80, $0x38;
	[tilespmem:$0x18100] =	vst v63  }
0x18: {  	_ =	swait.ge [sflag:s12], $0x80  }
0x19: {  	[sflag:s12] =	ssyncset.done $0x0  }
0x1a: {  	[sflag:s12] =	ssyncadd.s32 $0xFFFFFF80  }
0x1b: {  	[tilespmem:s14], [sflag:$0x1] =	stream.indirect.gather [hbm4b:s4+s13], $0x80, s3, s13, $0xb8;
	[tilespmem:$0x18100] =	vst v63  }
0x1c: {  	_ =	swait.ge [sflag:s15], $0x4000  }
0x1d: {  	[sflag:s15] =	ssyncset.done $0x0  }
0x1e: {  	[sflag:s15] =	ssyncadd.s32 $0xFFFFC000  }
0x1f: {  	[spmem:s2] =	stream.indirect.scatter.add.f32 [tilespmem:s14], [sflag:$0x2], $0x80, s13, s13, $0xb8;
	[tilespmem:$0x18100] =	vst v63  }
0x20: {  	_ =	swait.ge [sflag:s12], $0x4000  }
0x21: {  	s18 =	simm.s32 $0x20;
	s17 =	simm.s32 $0x10;
	[sflag:s12] =	ssyncset.done $0x0  }
.LBB2_2:
0x22: {  	s19 =	sadd.s32 s17, s10  }
0x23: {  	[sflag:s12] =	ssyncadd.s32 $0xFFFFC000;
	s20 =	smov.u32 s18;
	s21 =	sadd.s32 $0x10, s18  }
0x24: {  	[tilespmem:s3], [sflag:$0x2] =	stream.linear.gather [hbm4b:s19+s3], $0x80, $0x38;
	[tilespmem:$0x18100] =	vst v63  }
0x25: {  	p0 =	sne.s32 s18, $0x4E0;
	_ =	swait.ge [sflag:s12], $0x80  }
0x26: {  	[sflag:s12] =	ssyncset.done $0x0  }
0x27: {  	s18 =	sadd.s32 s17, s9;
	s17 =	smov.u32 s20;
	[sflag:s12] =	ssyncadd.s32 $0xFFFFFF80  }
0x28: {  	[tilespmem:s13], [sflag:$0x2] =	stream.linear.gather [hbm4b:s18+s3], $0x80, $0x38;
	[tilespmem:$0x18100] =	vst v63  }
0x29: {  	_ =	swait.ge [sflag:s12], $0x80  }
0x2a: {  	[sflag:s12] =	ssyncset.done $0x0  }
0x2b: {  	[sflag:s12] =	ssyncadd.s32 $0xFFFFFF80  }
0x2c: {  	[tilespmem:s14], [sflag:$0x1] =	stream.indirect.gather [hbm4b:s4+s13], $0x80, s3, s13, $0xb8;
	[tilespmem:$0x18100] =	vst v63  }
0x2d: {  	_ =	swait.ge [sflag:s15], $0x4000  }
.Ltmp0:
0x2e: {  	[sflag:s15] =	ssyncset.done $0x0;
	(pc) =	sbr.rel @p0 .LBB2_2-.Ltmp0, $4  }
0x2f: {  	[sflag:s15] =	ssyncadd.s32 $0xFFFFC000  }
0x30: {  	[spmem:s2] =	stream.indirect.scatter.add.f32 [tilespmem:s14], [sflag:$0x2], $0x80, s13, s13, $0xb8;
	[tilespmem:$0x18100] =	vst v63  }
0x31: {  	_ =	swait.ge [sflag:s12], $0x4000  }
0x32: {  	s18 =	smov.u32 s21;
	[sflag:s12] =	ssyncset.done $0x0  }
0x33: {  	s18 =	sadd.s32 s17, s10;
	[sflag:s12] =	ssyncadd.s32 $0xFFFFC000  }
0x34: {  	[tilespmem:s3], [sflag:$0x2] =	stream.linear.gather [hbm4b:s18+s3], $0x80, $0x38;
	[tilespmem:$0x18100] =	vst v63  }
0x35: {  	_ =	swait.ge [sflag:s12], $0x80  }
0x36: {  	[sflag:s12] =	ssyncset.done $0x0  }
0x37: {  	s31 =	sadd.s32 s17, s9;
	[sflag:s12] =	ssyncadd.s32 $0xFFFFFF80  }
0x38: {  	[tilespmem:s13], [sflag:$0x2] =	stream.linear.gather [hbm4b:s31+s3], $0x80, $0x38;
	[tilespmem:$0x18100] =	vst v63  }
0x39: {  	_ =	swait.ge [sflag:s12], $0x80  }
0x3a: {  	[sflag:s12] =	ssyncset.done $0x0  }
0x3b: {  	[sflag:s12] =	ssyncadd.s32 $0xFFFFFF80  }
0x3c: {  	[tilespmem:s14], [sflag:$0x1] =	stream.indirect.gather [hbm4b:s4+s13], $0x80, s3, s13, $0xb8;
	[tilespmem:$0x18100] =	vst v63  }
0x3d: {  	_ =	swait.ge [sflag:s15], $0x4000  }
0x3e: {  	[sflag:s15] =	ssyncset.done $0x0  }
0x3f: {  	[sflag:s15] =	ssyncadd.s32 $0xFFFFC000  }
0x40: {  	[spmem:s2] =	stream.indirect.scatter.add.f32 [tilespmem:s14], [sflag:$0x2], $0x80, s13, s13, $0xb8;
	[tilespmem:$0x18100] =	vst v63  }
0x41: {  	_ =	swait.ge [sflag:s12], $0x4000  }
0x42: {  	s16 =	sadd.s32 $0x1, s16;
	[sflag:s12] =	ssyncset.done $0x0  }
0x43: {  	p0 =	sne.s32 s16, s8;
	[sflag:s12] =	ssyncadd.s32 $0xFFFFC000  }
.Ltmp1:
0x44: {  	[bflag:$0x0] =	sbarrier.arrive $0xFFFF;
	(pc) =	sbr.rel @p0 .LBB2_1-.Ltmp1, $4  }
0x45: {  	[hbm:s7], [sflag:s6] =	dma.local [spmem:s11], $0x2800  }
0x46: {  	_ =	swait.ge [sflag:s12], $0x2800  }
0x47: {  	[sflag:s12] =	ssyncset.done $0x0  }
0x48: {  	[sflag:s12] =	ssyncadd.s32 $0xFFFFD800  }
0x49: {  	_ =	sfence.sel $0x180000  }
0x4a: {  	[bflag:$0x0] =	sbarrier.arrive $0xFFFF  }
0x4b: {  	p0 =	sne.s32 s1, $0x0;
	_ =	strace $0x90000047  }
0x4c: {  	s0 =	sadd.s32 @!p0 $0x100000, s0;
	[bflag:$0x2] =	sbarrier.arrive $0xFFFF  }
0x4d: {  	[sflag:s0] =	ssyncadd.tile.s32 @!p0 $0x1;
	_ =	shalt  }
.Lfunc_end2:
_tile_overlayer_lowered:
.L_overlay_start_2:
0x4e: {  	(tag) =	ssettag $0x2  }
0x4f: {  	s0 =	rddreg [dreg:$0x0];
	s2 =	stileid.u32  }
0x50: {  	s1 =	rddreg [dreg:$0x1];
	p0 =	sne.s32 s2, $0x0  }
0x51: {  	s3 =	rddreg [dreg:$0x2];
	[bflag:$0x3] =	sbarrier.arrive $0xFFFF;
	s2 =	simm.s32 @!p0 $0x1C02  }
0x52: {  	[timem:s3], [sflag:s2] =	dma.local @!p0 [hbm:s0], s1  }
0x53: {  	s0 =	simm.s32 @!p0 $0x2  }
0x54: {  	_ =	swait.ge @!p0 [sflag:s0], s1  }
0x55: {  	s1 =	ssub.s32 @!p0 $0x0, s1;
	[sflag:s0] =	ssyncset.done @!p0 $0x0  }
0x56: {  	[sflag:s0] =	ssyncadd.s32 @!p0 s1  }
0x57: {  	[bflag:$0x3] =	sbarrier.arrive $0xFFFF  }
0x58: {  	_ =	shalt  }

// kernel: kernel.13.cloned.1.call-start
scs
__scs_entry_jumppad:
0x0: {  	(pc) =	sbr.rel $0x88, $3  }
0x1: {  	(tag) =	ssettag $0x0;
	lr =	simm.s32 $0x1  }
0x2: {  	[smem:$0x3F97] =	sst lr;
	_ =	strace $0xD0000000  }
0x3: {  	_ = 	snop  }
0x4: {  	_ = 	snop  }
0x5: {  	_ = 	snop  }
0x6: {  	_ = 	snop  }
0x7: {  	_ = 	snop  }
__scs_overlays_trampoline_lowered:
0x8: {  	[smem:$0x3FA6] =	sst s0  }
0x9: {  	[smem:$0x3FA7] =	sst s1  }
0xa: {  	[smem:$0x3FA8] =	sst s2  }
0xb: {  	[smem:$0x3FA9] =	sst s3  }
0xc: {  	[smem:$0x3FAA] =	sst s4  }
0xd: {  	[smem:$0x3FAB] =	sst s5  }
0xe: {  	[smem:$0x3FAC] =	sst s6  }
0xf: {  	[smem:$0x3FAD] =	sst s7  }
0x10: {  	[smem:$0x3FAE] =	sst s8  }
0x11: {  	[smem:$0x3FAF] =	sst s9;
	s0 =	simm.s32 @!p0 $0x0  }
0x12: {  	s1 =	sld [smem:$0x3F95];
	s0 =	simm.s32 @p0 $0x1  }
0x13: {  	[smem:$0x3FB0] =	sst s0;
	s0 =	simm.s32 @!p1 $0x0  }
0x14: {  	s2 =	sld [smem:$0x3F94];
	s0 =	simm.s32 @p1 $0x1  }
0x15: {  	[smem:$0x3FB1] =	sst s0;
	s0 =	simm.s32 @!p2 $0x0  }
0x16: {  	s3 =	sld [smem:$0x3FDB];
	s0 =	simm.s32 @p2 $0x1  }
0x17: {  	s4 =	simm.s32 $0x1BF5;
	[smem:$0x3FB3] =	sst s0  }
0x18: {  	s0 =	sld [smem:$0x3F96];
	_ =	swait.ge [sflag:s4], $0x0  }
0x19: {  	s7 =	sld [smem:$0x3F97]  }
0x1a: {  	s8 =	sadd.s32 $0xFFFFE003, lr  }
0x1b: {  	s9 =	sadd.s32 $0xFFFFFEF7, lr;
	s5 =	simm.s32 $0xFFFFFFFF;
	p2 =	slt.u32 s8, $0xFFFFF086  }
0x1c: {  	p1 =	slt.u32 s9, $0xF7A;
	s5 =	simm.s32 @!p2 $0x0  }
0x1d: {  	s5 =	simm.s32 @p1 $0x1;
	p0 =	seq.s32 s7, s2  }
0x1e: {  	s7 =	smul.u32 @!p0 $0xF7A, s2;
	p2 =	seq.s32 @!p0 s5, $0x0  }
0x1f: {  	s9 =	smul.u32 $0xF7A, s1;
	s8 =	simm.s32 @!p0 $0x1BF5;
	p2 =	por !p2, p0  }
0x20: {  	[sflag:s8] =	ssyncset.s32 @!p0 $0xFFFFF086;
	s6 =	sadd.s32 @!p0 s3, s7;
	s7 =	simm.s32 @!p0 $0x108  }
0x21: {  	s3 =	sadd.s32 s3, s9;
	s6 =	sadd.s32 @!p0 $0x88, s6;
	s7 =	simm.s32 @p2 $0x1082  }
0x22: {  	[simem:s7], [sflag:s8] =	dma.local @!p0 [hbm:s6], $0xF7A  }
0x23: {  	s9 =	sor.u32 $0xD0000000, s2;
	s6 =	simm.s32 $0x108;
	_ =	swait.ge @!p0 [sflag:s8], $0x0  }
0x24: {  	s3 =	sadd.s32 $0x88, s3;
	s6 =	simm.s32 @!p1 $0x1082;
	[sflag:s4] =	ssyncset.s32 $0xFFFFF086  }
0x25: {  	[simem:s6], [sflag:s4] =	dma.local [hbm:s3], $0xF7A  }
0x26: {  	[smem:$0x3F97] =	sst s1;
	(tag) =	ssettag s2;
	_ =	strace s9  }
0x27: {  	s1 =	sld [smem:$0x3FA7]  }
0x28: {  	s2 =	sld [smem:$0x3FA8]  }
0x29: {  	s4 =	sld [smem:$0x3FAA]  }
0x2a: {  	p0 =	seq.s32 s5, $0x0;
	s5 =	sld [smem:$0x3FAB]  }
0x2b: {  	s6 =	sld [smem:$0x3FAC]  }
0x2c: {  	s7 =	sld [smem:$0x3FAD]  }
0x2d: {  	s3 =	simm.s32 $0x108;
	s8 =	sld [smem:$0x3FAE]  }
0x2e: {  	s3 =	simm.s32 @!p0 $0x1082;
	s9 =	sld [smem:$0x3FAF]  }
0x2f: {  	lr =	sadd.s32 s0, s3;
	s0 =	sld [smem:$0x3FA6]  }
0x30: {  	s3 =	sld [smem:$0x3FA9]  }
0x31: {  	[smem:$0x3FB2] =	sst s10  }
0x32: {  	s10 =	sld [smem:$0x3FB0];
	_ =	sdelay $0x3  }
0x33: {  	p0 =	seq.s32 s10, $0x1;
	s10 =	sld [smem:$0x3FB2];
	_ =	sdelay $0x3  }
0x34: {  	[smem:$0x3FB2] =	sst s10  }
0x35: {  	s10 =	sld [smem:$0x3FB1];
	_ =	sdelay $0x3  }
0x36: {  	p1 =	seq.s32 s10, $0x1;
	s10 =	sld [smem:$0x3FB2];
	_ =	sdelay $0x3  }
0x37: {  	[smem:$0x3FB2] =	sst s10  }
0x38: {  	s10 =	sld [smem:$0x3FB3]  }
0x39: {  	_ = 	snop;
	(pc) =	sbr.ind lr, $3  }
0x3a: {  	_ = 	snop  }
0x3b: {  	_ = 	snop  }
0x3c: {  	p2 =	seq.s32 s10, $0x1;
	s10 =	sld [smem:$0x3FB2]  }
0x3d: {  	_ =	shalt  }
0x3e: {  	_ =	shalt  }
0x3f: {  	_ =	shalt  }
0x40: {  	_ =	shalt  }
0x41: {  	_ =	shalt  }
0x42: {  	_ =	shalt  }
0x43: {  	_ =	shalt  }
0x44: {  	_ =	shalt  }
0x45: {  	_ =	shalt  }
0x46: {  	_ =	shalt  }
0x47: {  	_ =	shalt  }
0x48: {  	_ =	shalt  }
0x49: {  	_ =	shalt  }
0x4a: {  	_ =	shalt  }
0x4b: {  	_ =	shalt  }
0x4c: {  	_ =	shalt  }
0x4d: {  	_ =	shalt  }
0x4e: {  	_ =	shalt  }
0x4f: {  	_ =	shalt  }
0x50: {  	_ =	shalt  }
0x51: {  	_ =	shalt  }
0x52: {  	_ =	shalt  }
0x53: {  	_ =	shalt  }
0x54: {  	_ =	shalt  }
0x55: {  	_ =	shalt  }
0x56: {  	_ =	shalt  }
0x57: {  	_ =	shalt  }
0x58: {  	_ =	shalt  }
0x59: {  	_ =	shalt  }
0x5a: {  	_ =	shalt  }
0x5b: {  	_ =	shalt  }
0x5c: {  	_ =	shalt  }
0x5d: {  	_ =	shalt  }
0x5e: {  	_ =	shalt  }
0x5f: {  	_ =	shalt  }
0x60: {  	_ =	shalt  }
0x61: {  	_ =	shalt  }
0x62: {  	_ =	shalt  }
0x63: {  	_ =	shalt  }
0x64: {  	_ =	shalt  }
0x65: {  	_ =	shalt  }
0x66: {  	_ =	shalt  }
0x67: {  	_ =	shalt  }
0x68: {  	_ =	shalt  }
0x69: {  	_ =	shalt  }
0x6a: {  	_ =	shalt  }
0x6b: {  	_ =	shalt  }
0x6c: {  	_ =	shalt  }
0x6d: {  	_ =	shalt  }
0x6e: {  	_ =	shalt  }
0x6f: {  	_ =	shalt  }
0x70: {  	_ =	shalt  }
0x71: {  	_ =	shalt  }
0x72: {  	_ =	shalt  }
0x73: {  	_ =	shalt  }
0x74: {  	_ =	shalt  }
0x75: {  	_ =	shalt  }
0x76: {  	_ =	shalt  }
0x77: {  	_ =	shalt  }
0x78: {  	_ =	shalt  }
0x79: {  	_ =	shalt  }
0x7a: {  	_ =	shalt  }
0x7b: {  	_ =	shalt  }
0x7c: {  	_ =	shalt  }
0x7d: {  	_ =	shalt  }
0x7e: {  	_ =	shalt  }
0x7f: {  	_ =	shalt  }
0x80: {  	_ =	shalt  }
0x81: {  	_ =	shalt  }
0x82: {  	_ =	shalt  }
0x83: {  	_ =	shalt  }
0x84: {  	_ =	shalt  }
0x85: {  	_ =	shalt  }
0x86: {  	_ =	shalt  }
0x87: {  	_ =	shalt  }
.Lfunc_end0:
.L_simem_size_0:
called_computation.1_lowered:
.L_overlay_start_0:
0x88: {  	s2 =	sld [smem:$0x3FD9]  }
0x89: {  	s3 =	sld [smem:$0x3FFE];
	_ =	sdelay $0x1  }
0x8a: {  	s1 =	srdreg.scid  }
0x8b: {  	s0 =	sand.u32 $0x1, s1  }
0x8c: {  	s16 =	sshll.u32 s0, $0xA;
	s2 =	sadd.s32 s3, s2  }
0x8d: {  	s2 =	sadd.s32 s2, s16  }
0x8e: {  	[smem:$0x3FBE] =	sst s2  }
0x8f: {  	_ = 	snop  }
0x90: {  	(tm) =	ssettm $0x1  }
0x91: {  	s17 =	sld [smem:$0x3FFB];
	_ =	sdelay $0x3  }
0x92: {  	_ =	strace s17  }
0x93: {  	s2 =	sld [smem:$0x3FFC];
	_ =	sdelay $0x3  }
0x94: {  	_ =	strace s2  }
0x95: {  	s2 =	sld [smem:$0x3FFD];
	_ =	sdelay $0x3  }
0x96: {  	_ =	strace s2  }
0x97: {  	_ =	strace $0x8FFFFFFF  }
0x98: {  	s18 =	sld [smem:$0x3FDB];
	_ =	sdelay $0x1  }
0x99: {  	s19 =	simm.s32 $_scs_section_size  }
0x9a: {  	s4 =	simm.s32 $_size__tile_overlayer_lowered;
	s5 =	simm.s32 $_tile_overlayer_lowered  }
0x9b: {  	s22 =	simm.s32 $0x1BFF;
	s21 =	sshll.u32 s5, $0x1;
	s2 =	sadd.s32 s19, s18  }
0x9c: {  	s6 =	simm.s32 $0x0;
	s20 =	sshll.u32 s4, $0x1;
	s4 =	sadd.s32 s21, s2  }
0x9d: {  	[timem:s6], [sflag:s22] =	dma.local [hbm:s4], s20  }
0x9e: {  	_ =	swait.ge [sflag:s22], s20  }
0x9f: {  	s3 =	ssub.s32 $0x0, s20;
	[sflag:s22] =	ssyncset.done $0x0  }
0xa0: {  	[sflag:s22] =	ssyncadd.s32 s3;
	_ =	sdelay $0x1  }
0xa1: {  	s23 =	simm.s32 $0x1B8B  }
0xa2: {  	_ =	swait.ge [sflag:s23], $0x1  }
0xa3: {  	[sflag:s23] =	ssyncset.done $0x0  }
0xa4: {  	s25 =	simm.s32 $0x1B8E;
	s24 =	sld [smem:$0x3FFE];
	[sflag:s23] =	ssyncadd.s32 $0xFFFFFFFF  }
0xa5: {  	s26 =	simm.s32 $execute0_lowered;
	[smem:$0x3FD2] =	sst s25  }
0xa6: {  	s4 =	sshll.u32 s26, $0x1;
	_ =	strace $0x80000049;
	[dreg:$0x1] =	wrdreg $0xFFFFFFFF  }
0xa7: {  	s28 =	simm.s32 $_size_execute0_lowered;
	s2 =	sadd.s32 s2, s4;
	[dreg:$0x0] =	wrdreg $0x0  }
0xa8: {  	s4 =	sshll.u32 s28, $0x1;
	[dreg:$0x2] =	wrdreg s2  }
0xa9: {  	[dreg:$0x3] =	wrdreg s4  }
0xaa: {  	[dreg:$0x4] =	wrdreg $0xC0  }
0xab: {  	_ =	task [dreg:s6], $0x5FFFF  }
0xac: {  	[dreg:$0x1] =	wrdreg $0xFFFFFFFF  }
0xad: {  	[dreg:$0x0] =	wrdreg $0x60  }
0xae: {  	[dreg:$0x2] =	wrdreg s24  }
0xaf: {  	[dreg:$0x3] =	wrdreg $0x41000  }
0xb0: {  	[dreg:$0x4] =	wrdreg $0x9  }
0xb1: {  	_ =	task.clear_ibuf [dreg:s6], $0x5FFFF;
	_ =	strace $0x90000049  }
0xb2: {  	s29 =	simm.s32 $0x9;
	_ =	strace $0x8000004B  }
0xb3: {  	_ =	swait.ge [sflag:s29], $0x1  }
0xb4: {  	[sflag:s29] =	ssyncadd.s32 $0xFFFFFFFF  }
0xb5: {  	_ =	strace $0x9000004B  }
0xb6: {  	_ =	sfence  }
0xb7: {  	s30 =	sld [smem:$0x0];
	_ =	sdelay $0x2  }
0xb8: {  	s31 =	sshll.u32 s1, $0xD;
	s1 =	sshrl.u32 s1, $0x2  }
0xb9: {  	s3 =	sand.u32 $0x4000, s31;
	s1 =	sadd.s32 s1, s30  }
0xba: {  	s0 =	sor.u32 s3, s0;
	s1 =	sshll.u32 s1, $0x11  }
0xbb: {  	s0 =	sor.u32 s1, s0  }
0xbc: {  	s0 =	sadd.s32 $0x8F2B, s0  }
0xbd: {  	[sflag:s0] =	ssyncadd.remote.s32 $0x1  }
0xbe: {  	_ =	sfence.sel $0xFFFF  }
0xbf: {  	[dreg:$0x0] =	wrdreg $0xFFFFFFFF;
	(pc) =	sbr.abs _section_cstart, $3  }
0xc0: {  	[dreg:$0x1] =	wrdreg $0xFFFFFFFF  }
0xc1: {  	_ =	task.clear_ibuf [dreg:s6], $0x2FFFF;
	_ =	strace $0x9FFFFFFF  }
0xc2: {  	(tm) =	ssettm $0x7FFFFFFF  }
0xc3: {  	_ =	shalt  }
tec
execute0_lowered:
.L_overlay_start_1:
0x0: {  	(tag) =	ssettag $0x1  }
0x1: {  	s6 =	rddreg [dreg:$0x0];
	s0 =	srdreg.scid  }
0x2: {  	s2 =	rddreg [dreg:$0x1];
	s1 =	stileid.u32;
	s3 =	simm.s32 $0x0  }
0x3: {  	s14 =	simm.s32 $0x100;
	s15 =	simm.s32 $0x1;
	s8 =	smul.u32 $0x14000, s1  }
0x4: {  	s7 =	sand.u32 $0x1, s0;
	s0 =	rddreg [dreg:$0x2];
	s10 =	smul.u32 $0x50000, s1  }
0x5: {  	s16 =	simm.s32 $0x0;
	[smem:$0x7FF] =	sst s3;
	s11 =	smul.u32 $0x4F0, s1  }
0x6: {  	s4 =	sadd.s32 $0x19200, s6;
	s30 =	sshll.u32 s1, $0x6;
	s5 =	smul.u32 $0x140000, s7  }
0x7: {  	s9 =	smul.u32 $0x4F00, s7;
	_ =	strace $0x8000004A;
	s29 =	ssub.s32 $0x2, s7  }
0x8: {  	s7 =	sshrl.u32 s29, $0x1;
	s10 =	sshrl.u32 s10, $0x2;
	s5 =	sadd.s32 s8, s5  }
0x9: {  	s26 =	sadd.s32 s9, s6;
	s12 =	ssub.s32 s29, s7;
	s13 =	sadd.s32 s10, s2  }
0xa: {  	s28 =	sshrl.u32 s5, $0x3;
	s5 =	sadd.s32 $0x16A00, s6;
	s31 =	sadd.s32 s11, s26  }
0xb: {  	s8 =	smax.u32 s12, $0x1;
	s11 =	sshrl.u32 s13, $0x3;
	s12 =	simm.s32 $0x2  }
0xc: {  	s13 =	simm.s32 $0x80;
	s9 =	sadd.s32 s28, s6;
	s6 =	sor.u32 $0x1C02, s30  }
0xd: {  	s10 =	sadd.s32 $0xCC00, s31;
	s7 =	sadd.s32 $0x41200, s9;
	s9 =	sadd.s32 $0x2E00, s31  }
.LBB2_1:
0xe: {  	[spmem:s11], [sflag:s6] =	dma.local [hbm:s5], $0x2800  }
0xf: {  	_ =	swait.ge [sflag:s12], $0x2800  }
0x10: {  	[sflag:s12] =	ssyncset.done $0x0  }
0x11: {  	[sflag:s12] =	ssyncadd.s32 $0xFFFFD800  }
0x12: {  	s17 =	sadd.s32 $0x0, s10;
	[bflag:$0x0] =	sbarrier.arrive $0xFFFF  }
0x13: {  	[tilespmem:s3], [sflag:$0x2] =	stream.linear.gather [hbm4b:s17+s3], $0x80, $0x38;
	[tilespmem:$0x18100] =	vst v63  }
0x14: {  	_ =	swait.ge [sflag:s12], $0x80  }
0x15: {  	[sflag:s12] =	ssyncset.done $0x0  }
0x16: {  	s31 =	sadd.s32 $0x0, s9;
	[sflag:s12] =	ssyncadd.s32 $0xFFFFFF80  }
0x17: {  	[tilespmem:s13], [sflag:$0x2] =	stream.linear.gather [hbm4b:s31+s3], $0x80, $0x38;
	[tilespmem:$0x18100] =	vst v63  }
0x18: {  	_ =	swait.ge [sflag:s12], $0x80  }
0x19: {  	[sflag:s12] =	ssyncset.done $0x0  }
0x1a: {  	[sflag:s12] =	ssyncadd.s32 $0xFFFFFF80  }
0x1b: {  	[tilespmem:s14], [sflag:$0x1] =	stream.indirect.gather [hbm4b:s4+s13], $0x80, s3, s13, $0xb8;
	[tilespmem:$0x18100] =	vst v63  }
0x1c: {  	_ =	swait.ge [sflag:s15], $0x4000  }
0x1d: {  	[sflag:s15] =	ssyncset.done $0x0  }
0x1e: {  	[sflag:s15] =	ssyncadd.s32 $0xFFFFC000  }
0x1f: {  	[spmem:s2] =	stream.indirect.scatter.add.f32 [tilespmem:s14], [sflag:$0x2], $0x80, s13, s13, $0xb8;
	[tilespmem:$0x18100] =	vst v63  }
0x20: {  	_ =	swait.ge [sflag:s12], $0x4000  }
0x21: {  	s18 =	simm.s32 $0x20;
	s17 =	simm.s32 $0x10;
	[sflag:s12] =	ssyncset.done $0x0  }
.LBB2_2:
0x22: {  	s19 =	sadd.s32 s17, s10  }
0x23: {  	[sflag:s12] =	ssyncadd.s32 $0xFFFFC000;
	s20 =	smov.u32 s18;
	s21 =	sadd.s32 $0x10, s18  }
0x24: {  	[tilespmem:s3], [sflag:$0x2] =	stream.linear.gather [hbm4b:s19+s3], $0x80, $0x38;
	[tilespmem:$0x18100] =	vst v63  }
0x25: {  	p0 =	sne.s32 s18, $0x4E0;
	_ =	swait.ge [sflag:s12], $0x80  }
0x26: {  	[sflag:s12] =	ssyncset.done $0x0  }
0x27: {  	s18 =	sadd.s32 s17, s9;
	s17 =	smov.u32 s20;
	[sflag:s12] =	ssyncadd.s32 $0xFFFFFF80  }
0x28: {  	[tilespmem:s13], [sflag:$0x2] =	stream.linear.gather [hbm4b:s18+s3], $0x80, $0x38;
	[tilespmem:$0x18100] =	vst v63  }
0x29: {  	_ =	swait.ge [sflag:s12], $0x80  }
0x2a: {  	[sflag:s12] =	ssyncset.done $0x0  }
0x2b: {  	[sflag:s12] =	ssyncadd.s32 $0xFFFFFF80  }
0x2c: {  	[tilespmem:s14], [sflag:$0x1] =	stream.indirect.gather [hbm4b:s4+s13], $0x80, s3, s13, $0xb8;
	[tilespmem:$0x18100] =	vst v63  }
0x2d: {  	_ =	swait.ge [sflag:s15], $0x4000  }
.Ltmp0:
0x2e: {  	[sflag:s15] =	ssyncset.done $0x0;
	(pc) =	sbr.rel @p0 .LBB2_2-.Ltmp0, $4  }
0x2f: {  	[sflag:s15] =	ssyncadd.s32 $0xFFFFC000  }
0x30: {  	[spmem:s2] =	stream.indirect.scatter.add.f32 [tilespmem:s14], [sflag:$0x2], $0x80, s13, s13, $0xb8;
	[tilespmem:$0x18100] =	vst v63  }
0x31: {  	_ =	swait.ge [sflag:s12], $0x4000  }
0x32: {  	s18 =	smov.u32 s21;
	[sflag:s12] =	ssyncset.done $0x0  }
0x33: {  	s18 =	sadd.s32 s17, s10;
	[sflag:s12] =	ssyncadd.s32 $0xFFFFC000  }
0x34: {  	[tilespmem:s3], [sflag:$0x2] =	stream.linear.gather [hbm4b:s18+s3], $0x80, $0x38;
	[tilespmem:$0x18100] =	vst v63  }
0x35: {  	_ =	swait.ge [sflag:s12], $0x80  }
0x36: {  	[sflag:s12] =	ssyncset.done $0x0  }
0x37: {  	s31 =	sadd.s32 s17, s9;
	[sflag:s12] =	ssyncadd.s32 $0xFFFFFF80  }
0x38: {  	[tilespmem:s13], [sflag:$0x2] =	stream.linear.gather [hbm4b:s31+s3], $0x80, $0x38;
	[tilespmem:$0x18100] =	vst v63  }
0x39: {  	_ =	swait.ge [sflag:s12], $0x80  }
0x3a: {  	[sflag:s12] =	ssyncset.done $0x0  }
0x3b: {  	[sflag:s12] =	ssyncadd.s32 $0xFFFFFF80  }
0x3c: {  	[tilespmem:s14], [sflag:$0x1] =	stream.indirect.gather [hbm4b:s4+s13], $0x80, s3, s13, $0xb8;
	[tilespmem:$0x18100] =	vst v63  }
0x3d: {  	_ =	swait.ge [sflag:s15], $0x4000  }
0x3e: {  	[sflag:s15] =	ssyncset.done $0x0  }
0x3f: {  	[sflag:s15] =	ssyncadd.s32 $0xFFFFC000  }
0x40: {  	[spmem:s2] =	stream.indirect.scatter.add.f32 [tilespmem:s14], [sflag:$0x2], $0x80, s13, s13, $0xb8;
	[tilespmem:$0x18100] =	vst v63  }
0x41: {  	_ =	swait.ge [sflag:s12], $0x4000  }
0x42: {  	s16 =	sadd.s32 $0x1, s16;
	[sflag:s12] =	ssyncset.done $0x0  }
0x43: {  	p0 =	sne.s32 s16, s8;
	[sflag:s12] =	ssyncadd.s32 $0xFFFFC000  }
.Ltmp1:
0x44: {  	[bflag:$0x0] =	sbarrier.arrive $0xFFFF;
	(pc) =	sbr.rel @p0 .LBB2_1-.Ltmp1, $4  }
0x45: {  	[hbm:s7], [sflag:s6] =	dma.local [spmem:s11], $0x2800  }
0x46: {  	_ =	swait.ge [sflag:s12], $0x2800  }
0x47: {  	[sflag:s12] =	ssyncset.done $0x0  }
0x48: {  	[sflag:s12] =	ssyncadd.s32 $0xFFFFD800  }
0x49: {  	_ =	sfence.sel $0x180000  }
0x4a: {  	[bflag:$0x0] =	sbarrier.arrive $0xFFFF  }
0x4b: {  	p0 =	sne.s32 s1, $0x0;
	_ =	strace $0x9000004A  }
0x4c: {  	s0 =	sadd.s32 @!p0 $0x100000, s0;
	[bflag:$0x2] =	sbarrier.arrive $0xFFFF  }
0x4d: {  	[sflag:s0] =	ssyncadd.tile.s32 @!p0 $0x1;
	_ =	shalt  }
.Lfunc_end2:
_tile_overlayer_lowered:
.L_overlay_start_2:
0x4e: {  	(tag) =	ssettag $0x2  }
0x4f: {  	s0 =	rddreg [dreg:$0x0];
	s2 =	stileid.u32  }
0x50: {  	s1 =	rddreg [dreg:$0x1];
	p0 =	sne.s32 s2, $0x0  }
0x51: {  	s3 =	rddreg [dreg:$0x2];
	[bflag:$0x3] =	sbarrier.arrive $0xFFFF;
	s2 =	simm.s32 @!p0 $0x1C02  }
0x52: {  	[timem:s3], [sflag:s2] =	dma.local @!p0 [hbm:s0], s1  }
0x53: {  	s0 =	simm.s32 @!p0 $0x2  }
0x54: {  	_ =	swait.ge @!p0 [sflag:s0], s1  }
0x55: {  	s1 =	ssub.s32 @!p0 $0x0, s1;
	[sflag:s0] =	ssyncset.done @!p0 $0x0  }
0x56: {  	[sflag:s0] =	ssyncadd.s32 @!p0 s1  }
0x57: {  	[bflag:$0x3] =	sbarrier.arrive $0xFFFF  }
0x58: {  	_ =	shalt  }

// kernel: kernel.16.cloned.1.call-start
scs
__scs_entry_jumppad:
0x0: {  	(pc) =	sbr.rel $0x88, $3  }
0x1: {  	(tag) =	ssettag $0x0;
	lr =	simm.s32 $0x1  }
0x2: {  	[smem:$0x3F97] =	sst lr;
	_ =	strace $0xD0000000  }
0x3: {  	_ = 	snop  }
0x4: {  	_ = 	snop  }
0x5: {  	_ = 	snop  }
0x6: {  	_ = 	snop  }
0x7: {  	_ = 	snop  }
__scs_overlays_trampoline_lowered:
0x8: {  	[smem:$0x3FA6] =	sst s0  }
0x9: {  	[smem:$0x3FA7] =	sst s1  }
0xa: {  	[smem:$0x3FA8] =	sst s2  }
0xb: {  	[smem:$0x3FA9] =	sst s3  }
0xc: {  	[smem:$0x3FAA] =	sst s4  }
0xd: {  	[smem:$0x3FAB] =	sst s5  }
0xe: {  	[smem:$0x3FAC] =	sst s6  }
0xf: {  	[smem:$0x3FAD] =	sst s7  }
0x10: {  	[smem:$0x3FAE] =	sst s8  }
0x11: {  	[smem:$0x3FAF] =	sst s9;
	s0 =	simm.s32 @!p0 $0x0  }
0x12: {  	s1 =	sld [smem:$0x3F95];
	s0 =	simm.s32 @p0 $0x1  }
0x13: {  	[smem:$0x3FB0] =	sst s0;
	s0 =	simm.s32 @!p1 $0x0  }
0x14: {  	s2 =	sld [smem:$0x3F94];
	s0 =	simm.s32 @p1 $0x1  }
0x15: {  	[smem:$0x3FB1] =	sst s0;
	s0 =	simm.s32 @!p2 $0x0  }
0x16: {  	s3 =	sld [smem:$0x3FDB];
	s0 =	simm.s32 @p2 $0x1  }
0x17: {  	s4 =	simm.s32 $0x1BF5;
	[smem:$0x3FB3] =	sst s0  }
0x18: {  	s0 =	sld [smem:$0x3F96];
	_ =	swait.ge [sflag:s4], $0x0  }
0x19: {  	s7 =	sld [smem:$0x3F97]  }
0x1a: {  	s8 =	sadd.s32 $0xFFFFE003, lr  }
0x1b: {  	s9 =	sadd.s32 $0xFFFFFEF7, lr;
	s5 =	simm.s32 $0xFFFFFFFF;
	p2 =	slt.u32 s8, $0xFFFFF086  }
0x1c: {  	p1 =	slt.u32 s9, $0xF7A;
	s5 =	simm.s32 @!p2 $0x0  }
0x1d: {  	s5 =	simm.s32 @p1 $0x1;
	p0 =	seq.s32 s7, s2  }
0x1e: {  	s7 =	smul.u32 @!p0 $0xF7A, s2;
	p2 =	seq.s32 @!p0 s5, $0x0  }
0x1f: {  	s9 =	smul.u32 $0xF7A, s1;
	s8 =	simm.s32 @!p0 $0x1BF5;
	p2 =	por !p2, p0  }
0x20: {  	[sflag:s8] =	ssyncset.s32 @!p0 $0xFFFFF086;
	s6 =	sadd.s32 @!p0 s3, s7;
	s7 =	simm.s32 @!p0 $0x108  }
0x21: {  	s3 =	sadd.s32 s3, s9;
	s6 =	sadd.s32 @!p0 $0x88, s6;
	s7 =	simm.s32 @p2 $0x1082  }
0x22: {  	[simem:s7], [sflag:s8] =	dma.local @!p0 [hbm:s6], $0xF7A  }
0x23: {  	s9 =	sor.u32 $0xD0000000, s2;
	s6 =	simm.s32 $0x108;
	_ =	swait.ge @!p0 [sflag:s8], $0x0  }
0x24: {  	s3 =	sadd.s32 $0x88, s3;
	s6 =	simm.s32 @!p1 $0x1082;
	[sflag:s4] =	ssyncset.s32 $0xFFFFF086  }
0x25: {  	[simem:s6], [sflag:s4] =	dma.local [hbm:s3], $0xF7A  }
0x26: {  	[smem:$0x3F97] =	sst s1;
	(tag) =	ssettag s2;
	_ =	strace s9  }
0x27: {  	s1 =	sld [smem:$0x3FA7]  }
0x28: {  	s2 =	sld [smem:$0x3FA8]  }
0x29: {  	s4 =	sld [smem:$0x3FAA]  }
0x2a: {  	p0 =	seq.s32 s5, $0x0;
	s5 =	sld [smem:$0x3FAB]  }
0x2b: {  	s6 =	sld [smem:$0x3FAC]  }
0x2c: {  	s7 =	sld [smem:$0x3FAD]  }
0x2d: {  	s3 =	simm.s32 $0x108;
	s8 =	sld [smem:$0x3FAE]  }
0x2e: {  	s3 =	simm.s32 @!p0 $0x1082;
	s9 =	sld [smem:$0x3FAF]  }
0x2f: {  	lr =	sadd.s32 s0, s3;
	s0 =	sld [smem:$0x3FA6]  }
0x30: {  	s3 =	sld [smem:$0x3FA9]  }
0x31: {  	[smem:$0x3FB2] =	sst s10  }
0x32: {  	s10 =	sld [smem:$0x3FB0];
	_ =	sdelay $0x3  }
0x33: {  	p0 =	seq.s32 s10, $0x1;
	s10 =	sld [smem:$0x3FB2];
	_ =	sdelay $0x3  }
0x34: {  	[smem:$0x3FB2] =	sst s10  }
0x35: {  	s10 =	sld [smem:$0x3FB1];
	_ =	sdelay $0x3  }
0x36: {  	p1 =	seq.s32 s10, $0x1;
	s10 =	sld [smem:$0x3FB2];
	_ =	sdelay $0x3  }
0x37: {  	[smem:$0x3FB2] =	sst s10  }
0x38: {  	s10 =	sld [smem:$0x3FB3]  }
0x39: {  	_ = 	snop;
	(pc) =	sbr.ind lr, $3  }
0x3a: {  	_ = 	snop  }
0x3b: {  	_ = 	snop  }
0x3c: {  	p2 =	seq.s32 s10, $0x1;
	s10 =	sld [smem:$0x3FB2]  }
0x3d: {  	_ =	shalt  }
0x3e: {  	_ =	shalt  }
0x3f: {  	_ =	shalt  }
0x40: {  	_ =	shalt  }
0x41: {  	_ =	shalt  }
0x42: {  	_ =	shalt  }
0x43: {  	_ =	shalt  }
0x44: {  	_ =	shalt  }
0x45: {  	_ =	shalt  }
0x46: {  	_ =	shalt  }
0x47: {  	_ =	shalt  }
0x48: {  	_ =	shalt  }
0x49: {  	_ =	shalt  }
0x4a: {  	_ =	shalt  }
0x4b: {  	_ =	shalt  }
0x4c: {  	_ =	shalt  }
0x4d: {  	_ =	shalt  }
0x4e: {  	_ =	shalt  }
0x4f: {  	_ =	shalt  }
0x50: {  	_ =	shalt  }
0x51: {  	_ =	shalt  }
0x52: {  	_ =	shalt  }
0x53: {  	_ =	shalt  }
0x54: {  	_ =	shalt  }
0x55: {  	_ =	shalt  }
0x56: {  	_ =	shalt  }
0x57: {  	_ =	shalt  }
0x58: {  	_ =	shalt  }
0x59: {  	_ =	shalt  }
0x5a: {  	_ =	shalt  }
0x5b: {  	_ =	shalt  }
0x5c: {  	_ =	shalt  }
0x5d: {  	_ =	shalt  }
0x5e: {  	_ =	shalt  }
0x5f: {  	_ =	shalt  }
0x60: {  	_ =	shalt  }
0x61: {  	_ =	shalt  }
0x62: {  	_ =	shalt  }
0x63: {  	_ =	shalt  }
0x64: {  	_ =	shalt  }
0x65: {  	_ =	shalt  }
0x66: {  	_ =	shalt  }
0x67: {  	_ =	shalt  }
0x68: {  	_ =	shalt  }
0x69: {  	_ =	shalt  }
0x6a: {  	_ =	shalt  }
0x6b: {  	_ =	shalt  }
0x6c: {  	_ =	shalt  }
0x6d: {  	_ =	shalt  }
0x6e: {  	_ =	shalt  }
0x6f: {  	_ =	shalt  }
0x70: {  	_ =	shalt  }
0x71: {  	_ =	shalt  }
0x72: {  	_ =	shalt  }
0x73: {  	_ =	shalt  }
0x74: {  	_ =	shalt  }
0x75: {  	_ =	shalt  }
0x76: {  	_ =	shalt  }
0x77: {  	_ =	shalt  }
0x78: {  	_ =	shalt  }
0x79: {  	_ =	shalt  }
0x7a: {  	_ =	shalt  }
0x7b: {  	_ =	shalt  }
0x7c: {  	_ =	shalt  }
0x7d: {  	_ =	shalt  }
0x7e: {  	_ =	shalt  }
0x7f: {  	_ =	shalt  }
0x80: {  	_ =	shalt  }
0x81: {  	_ =	shalt  }
0x82: {  	_ =	shalt  }
0x83: {  	_ =	shalt  }
0x84: {  	_ =	shalt  }
0x85: {  	_ =	shalt  }
0x86: {  	_ =	shalt  }
0x87: {  	_ =	shalt  }
.Lfunc_end0:
.L_simem_size_0:
called_computation.2_lowered:
.L_overlay_start_0:
0x88: {  	s2 =	sld [smem:$0x3FD9]  }
0x89: {  	s3 =	sld [smem:$0x3FFE];
	_ =	sdelay $0x1  }
0x8a: {  	s1 =	srdreg.scid  }
0x8b: {  	s0 =	sand.u32 $0x1, s1  }
0x8c: {  	s16 =	sshll.u32 s0, $0xA;
	s2 =	sadd.s32 s3, s2  }
0x8d: {  	s2 =	sadd.s32 s2, s16  }
0x8e: {  	[smem:$0x3FBE] =	sst s2  }
0x8f: {  	_ = 	snop  }
0x90: {  	(tm) =	ssettm $0x1  }
0x91: {  	s17 =	sld [smem:$0x3FFB];
	_ =	sdelay $0x3  }
0x92: {  	_ =	strace s17  }
0x93: {  	s2 =	sld [smem:$0x3FFC];
	_ =	sdelay $0x3  }
0x94: {  	_ =	strace s2  }
0x95: {  	s2 =	sld [smem:$0x3FFD];
	_ =	sdelay $0x3  }
0x96: {  	_ =	strace s2  }
0x97: {  	_ =	strace $0x8FFFFFFF  }
0x98: {  	s18 =	sld [smem:$0x3FDB];
	_ =	sdelay $0x1  }
0x99: {  	s19 =	simm.s32 $_scs_section_size  }
0x9a: {  	s4 =	simm.s32 $_size__tile_overlayer_lowered;
	s5 =	simm.s32 $_tile_overlayer_lowered  }
0x9b: {  	s22 =	simm.s32 $0x1BFF;
	s21 =	sshll.u32 s5, $0x1;
	s2 =	sadd.s32 s19, s18  }
0x9c: {  	s6 =	simm.s32 $0x0;
	s20 =	sshll.u32 s4, $0x1;
	s4 =	sadd.s32 s21, s2  }
0x9d: {  	[timem:s6], [sflag:s22] =	dma.local [hbm:s4], s20  }
0x9e: {  	_ =	swait.ge [sflag:s22], s20  }
0x9f: {  	s3 =	ssub.s32 $0x0, s20;
	[sflag:s22] =	ssyncset.done $0x0  }
0xa0: {  	[sflag:s22] =	ssyncadd.s32 s3;
	_ =	sdelay $0x1  }
0xa1: {  	s23 =	simm.s32 $0x1B8B  }
0xa2: {  	_ =	swait.ge [sflag:s23], $0x1  }
0xa3: {  	[sflag:s23] =	ssyncset.done $0x0  }
0xa4: {  	s25 =	simm.s32 $0x1B8E;
	s24 =	sld [smem:$0x3FFE];
	[sflag:s23] =	ssyncadd.s32 $0xFFFFFFFF  }
0xa5: {  	s26 =	simm.s32 $execute0_lowered;
	[smem:$0x3FD2] =	sst s25  }
0xa6: {  	s4 =	sshll.u32 s26, $0x1;
	_ =	strace $0x8000004C;
	[dreg:$0x1] =	wrdreg $0xFFFFFFFF  }
0xa7: {  	s28 =	simm.s32 $_size_execute0_lowered;
	s2 =	sadd.s32 s2, s4;
	[dreg:$0x0] =	wrdreg $0x0  }
0xa8: {  	s4 =	sshll.u32 s28, $0x1;
	[dreg:$0x2] =	wrdreg s2  }
0xa9: {  	[dreg:$0x3] =	wrdreg s4  }
0xaa: {  	[dreg:$0x4] =	wrdreg $0xC0  }
0xab: {  	_ =	task [dreg:s6], $0x5FFFF  }
0xac: {  	[dreg:$0x1] =	wrdreg $0xFFFFFFFF  }
0xad: {  	[dreg:$0x0] =	wrdreg $0x60  }
0xae: {  	[dreg:$0x2] =	wrdreg s24  }
0xaf: {  	[dreg:$0x3] =	wrdreg $0x41000  }
0xb0: {  	[dreg:$0x4] =	wrdreg $0x9  }
0xb1: {  	_ =	task.clear_ibuf [dreg:s6], $0x5FFFF;
	_ =	strace $0x9000004C  }
0xb2: {  	s29 =	simm.s32 $0x9;
	_ =	strace $0x8000004E  }
0xb3: {  	_ =	swait.ge [sflag:s29], $0x1  }
0xb4: {  	[sflag:s29] =	ssyncadd.s32 $0xFFFFFFFF  }
0xb5: {  	_ =	strace $0x9000004E  }
0xb6: {  	_ =	sfence  }
0xb7: {  	s30 =	sld [smem:$0x0];
	_ =	sdelay $0x2  }
0xb8: {  	s31 =	sshll.u32 s1, $0xD;
	s1 =	sshrl.u32 s1, $0x2  }
0xb9: {  	s3 =	sand.u32 $0x4000, s31;
	s1 =	sadd.s32 s1, s30  }
0xba: {  	s0 =	sor.u32 s3, s0;
	s1 =	sshll.u32 s1, $0x11  }
0xbb: {  	s0 =	sor.u32 s1, s0  }
0xbc: {  	s0 =	sadd.s32 $0x8F2B, s0  }
0xbd: {  	[sflag:s0] =	ssyncadd.remote.s32 $0x1  }
0xbe: {  	_ =	sfence.sel $0xFFFF  }
0xbf: {  	[dreg:$0x0] =	wrdreg $0xFFFFFFFF;
	(pc) =	sbr.abs _section_cstart, $3  }
0xc0: {  	[dreg:$0x1] =	wrdreg $0xFFFFFFFF  }
0xc1: {  	_ =	task.clear_ibuf [dreg:s6], $0x2FFFF;
	_ =	strace $0x9FFFFFFF  }
0xc2: {  	(tm) =	ssettm $0x7FFFFFFF  }
0xc3: {  	_ =	shalt  }
tec
execute0_lowered:
.L_overlay_start_1:
0x0: {  	(tag) =	ssettag $0x1  }
0x1: {  	s6 =	rddreg [dreg:$0x0];
	s0 =	srdreg.scid  }
0x2: {  	s2 =	rddreg [dreg:$0x1];
	s1 =	stileid.u32;
	s3 =	simm.s32 $0x0  }
0x3: {  	s14 =	simm.s32 $0x100;
	s15 =	simm.s32 $0x1;
	s8 =	smul.u32 $0x14000, s1  }
0x4: {  	s7 =	sand.u32 $0x1, s0;
	s0 =	rddreg [dreg:$0x2];
	s10 =	smul.u32 $0x50000, s1  }
0x5: {  	s16 =	simm.s32 $0x0;
	[smem:$0x7FF] =	sst s3;
	s11 =	smul.u32 $0x4F0, s1  }
0x6: {  	s4 =	sadd.s32 $0x19200, s6;
	s30 =	sshll.u32 s1, $0x6;
	s5 =	smul.u32 $0x140000, s7  }
0x7: {  	s9 =	smul.u32 $0x4F00, s7;
	_ =	strace $0x8000004D;
	s29 =	ssub.s32 $0x2, s7  }
0x8: {  	s7 =	sshrl.u32 s29, $0x1;
	s10 =	sshrl.u32 s10, $0x2;
	s5 =	sadd.s32 s8, s5  }
0x9: {  	s26 =	sadd.s32 s9, s6;
	s12 =	ssub.s32 s29, s7;
	s13 =	sadd.s32 s10, s2  }
0xa: {  	s28 =	sshrl.u32 s5, $0x3;
	s5 =	sadd.s32 $0x16A00, s6;
	s31 =	sadd.s32 s11, s26  }
0xb: {  	s8 =	smax.u32 s12, $0x1;
	s11 =	sshrl.u32 s13, $0x3;
	s12 =	simm.s32 $0x2  }
0xc: {  	s13 =	simm.s32 $0x80;
	s9 =	sadd.s32 s28, s6;
	s6 =	sor.u32 $0x1C02, s30  }
0xd: {  	s10 =	sadd.s32 $0xCC00, s31;
	s7 =	sadd.s32 $0x41200, s9;
	s9 =	sadd.s32 $0x2E00, s31  }
.LBB2_1:
0xe: {  	[spmem:s11], [sflag:s6] =	dma.local [hbm:s5], $0x2800  }
0xf: {  	_ =	swait.ge [sflag:s12], $0x2800  }
0x10: {  	[sflag:s12] =	ssyncset.done $0x0  }
0x11: {  	[sflag:s12] =	ssyncadd.s32 $0xFFFFD800  }
0x12: {  	s17 =	sadd.s32 $0x0, s10;
	[bflag:$0x0] =	sbarrier.arrive $0xFFFF  }
0x13: {  	[tilespmem:s3], [sflag:$0x2] =	stream.linear.gather [hbm4b:s17+s3], $0x80, $0x38;
	[tilespmem:$0x18100] =	vst v63  }
0x14: {  	_ =	swait.ge [sflag:s12], $0x80  }
0x15: {  	[sflag:s12] =	ssyncset.done $0x0  }
0x16: {  	s31 =	sadd.s32 $0x0, s9;
	[sflag:s12] =	ssyncadd.s32 $0xFFFFFF80  }
0x17: {  	[tilespmem:s13], [sflag:$0x2] =	stream.linear.gather [hbm4b:s31+s3], $0x80, $0x38;
	[tilespmem:$0x18100] =	vst v63  }
0x18: {  	_ =	swait.ge [sflag:s12], $0x80  }
0x19: {  	[sflag:s12] =	ssyncset.done $0x0  }
0x1a: {  	[sflag:s12] =	ssyncadd.s32 $0xFFFFFF80  }
0x1b: {  	[tilespmem:s14], [sflag:$0x1] =	stream.indirect.gather [hbm4b:s4+s13], $0x80, s3, s13, $0xb8;
	[tilespmem:$0x18100] =	vst v63  }
0x1c: {  	_ =	swait.ge [sflag:s15], $0x4000  }
0x1d: {  	[sflag:s15] =	ssyncset.done $0x0  }
0x1e: {  	[sflag:s15] =	ssyncadd.s32 $0xFFFFC000  }
0x1f: {  	[spmem:s2] =	stream.indirect.scatter.add.f32 [tilespmem:s14], [sflag:$0x2], $0x80, s13, s13, $0xb8;
	[tilespmem:$0x18100] =	vst v63  }
0x20: {  	_ =	swait.ge [sflag:s12], $0x4000  }
0x21: {  	s18 =	simm.s32 $0x20;
	s17 =	simm.s32 $0x10;
	[sflag:s12] =	ssyncset.done $0x0  }
.LBB2_2:
0x22: {  	s19 =	sadd.s32 s17, s10  }
0x23: {  	[sflag:s12] =	ssyncadd.s32 $0xFFFFC000;
	s20 =	smov.u32 s18;
	s21 =	sadd.s32 $0x10, s18  }
0x24: {  	[tilespmem:s3], [sflag:$0x2] =	stream.linear.gather [hbm4b:s19+s3], $0x80, $0x38;
	[tilespmem:$0x18100] =	vst v63  }
0x25: {  	p0 =	sne.s32 s18, $0x4E0;
	_ =	swait.ge [sflag:s12], $0x80  }
0x26: {  	[sflag:s12] =	ssyncset.done $0x0  }
0x27: {  	s18 =	sadd.s32 s17, s9;
	s17 =	smov.u32 s20;
	[sflag:s12] =	ssyncadd.s32 $0xFFFFFF80  }
0x28: {  	[tilespmem:s13], [sflag:$0x2] =	stream.linear.gather [hbm4b:s18+s3], $0x80, $0x38;
	[tilespmem:$0x18100] =	vst v63  }
0x29: {  	_ =	swait.ge [sflag:s12], $0x80  }
0x2a: {  	[sflag:s12] =	ssyncset.done $0x0  }
0x2b: {  	[sflag:s12] =	ssyncadd.s32 $0xFFFFFF80  }
0x2c: {  	[tilespmem:s14], [sflag:$0x1] =	stream.indirect.gather [hbm4b:s4+s13], $0x80, s3, s13, $0xb8;
	[tilespmem:$0x18100] =	vst v63  }
0x2d: {  	_ =	swait.ge [sflag:s15], $0x4000  }
.Ltmp0:
0x2e: {  	[sflag:s15] =	ssyncset.done $0x0;
	(pc) =	sbr.rel @p0 .LBB2_2-.Ltmp0, $4  }
0x2f: {  	[sflag:s15] =	ssyncadd.s32 $0xFFFFC000  }
0x30: {  	[spmem:s2] =	stream.indirect.scatter.add.f32 [tilespmem:s14], [sflag:$0x2], $0x80, s13, s13, $0xb8;
	[tilespmem:$0x18100] =	vst v63  }
0x31: {  	_ =	swait.ge [sflag:s12], $0x4000  }
0x32: {  	s18 =	smov.u32 s21;
	[sflag:s12] =	ssyncset.done $0x0  }
0x33: {  	s18 =	sadd.s32 s17, s10;
	[sflag:s12] =	ssyncadd.s32 $0xFFFFC000  }
0x34: {  	[tilespmem:s3], [sflag:$0x2] =	stream.linear.gather [hbm4b:s18+s3], $0x80, $0x38;
	[tilespmem:$0x18100] =	vst v63  }
0x35: {  	_ =	swait.ge [sflag:s12], $0x80  }
0x36: {  	[sflag:s12] =	ssyncset.done $0x0  }
0x37: {  	s31 =	sadd.s32 s17, s9;
	[sflag:s12] =	ssyncadd.s32 $0xFFFFFF80  }
0x38: {  	[tilespmem:s13], [sflag:$0x2] =	stream.linear.gather [hbm4b:s31+s3], $0x80, $0x38;
	[tilespmem:$0x18100] =	vst v63  }
0x39: {  	_ =	swait.ge [sflag:s12], $0x80  }
0x3a: {  	[sflag:s12] =	ssyncset.done $0x0  }
0x3b: {  	[sflag:s12] =	ssyncadd.s32 $0xFFFFFF80  }
0x3c: {  	[tilespmem:s14], [sflag:$0x1] =	stream.indirect.gather [hbm4b:s4+s13], $0x80, s3, s13, $0xb8;
	[tilespmem:$0x18100] =	vst v63  }
0x3d: {  	_ =	swait.ge [sflag:s15], $0x4000  }
0x3e: {  	[sflag:s15] =	ssyncset.done $0x0  }
0x3f: {  	[sflag:s15] =	ssyncadd.s32 $0xFFFFC000  }
0x40: {  	[spmem:s2] =	stream.indirect.scatter.add.f32 [tilespmem:s14], [sflag:$0x2], $0x80, s13, s13, $0xb8;
	[tilespmem:$0x18100] =	vst v63  }
0x41: {  	_ =	swait.ge [sflag:s12], $0x4000  }
0x42: {  	s16 =	sadd.s32 $0x1, s16;
	[sflag:s12] =	ssyncset.done $0x0  }
0x43: {  	p0 =	sne.s32 s16, s8;
	[sflag:s12] =	ssyncadd.s32 $0xFFFFC000  }
.Ltmp1:
0x44: {  	[bflag:$0x0] =	sbarrier.arrive $0xFFFF;
	(pc) =	sbr.rel @p0 .LBB2_1-.Ltmp1, $4  }
0x45: {  	[hbm:s7], [sflag:s6] =	dma.local [spmem:s11], $0x2800  }
0x46: {  	_ =	swait.ge [sflag:s12], $0x2800  }
0x47: {  	[sflag:s12] =	ssyncset.done $0x0  }
0x48: {  	[sflag:s12] =	ssyncadd.s32 $0xFFFFD800  }
0x49: {  	_ =	sfence.sel $0x180000  }
0x4a: {  	[bflag:$0x0] =	sbarrier.arrive $0xFFFF  }
0x4b: {  	p0 =	sne.s32 s1, $0x0;
	_ =	strace $0x9000004D  }
0x4c: {  	s0 =	sadd.s32 @!p0 $0x100000, s0;
	[bflag:$0x2] =	sbarrier.arrive $0xFFFF  }
0x4d: {  	[sflag:s0] =	ssyncadd.tile.s32 @!p0 $0x1;
	_ =	shalt  }
.Lfunc_end2:
_tile_overlayer_lowered:
.L_overlay_start_2:
0x4e: {  	(tag) =	ssettag $0x2  }
0x4f: {  	s0 =	rddreg [dreg:$0x0];
	s2 =	stileid.u32  }
0x50: {  	s1 =	rddreg [dreg:$0x1];
	p0 =	sne.s32 s2, $0x0  }
0x51: {  	s3 =	rddreg [dreg:$0x2];
	[bflag:$0x3] =	sbarrier.arrive $0xFFFF;
	s2 =	simm.s32 @!p0 $0x1C02  }
0x52: {  	[timem:s3], [sflag:s2] =	dma.local @!p0 [hbm:s0], s1  }
0x53: {  	s0 =	simm.s32 @!p0 $0x2  }
0x54: {  	_ =	swait.ge @!p0 [sflag:s0], s1  }
0x55: {  	s1 =	ssub.s32 @!p0 $0x0, s1;
	[sflag:s0] =	ssyncset.done @!p0 $0x0  }
0x56: {  	[sflag:s0] =	ssyncadd.s32 @!p0 s1  }
0x57: {  	[bflag:$0x3] =	sbarrier.arrive $0xFFFF  }
0x58: {  	_ =	shalt  }

// kernel: kernel.19.cloned.1.call-start
scs
__scs_entry_jumppad:
0x0: {  	(pc) =	sbr.rel $0x88, $3  }
0x1: {  	(tag) =	ssettag $0x0;
	lr =	simm.s32 $0x1  }
0x2: {  	[smem:$0x3F97] =	sst lr;
	_ =	strace $0xD0000000  }
0x3: {  	_ = 	snop  }
0x4: {  	_ = 	snop  }
0x5: {  	_ = 	snop  }
0x6: {  	_ = 	snop  }
0x7: {  	_ = 	snop  }
__scs_overlays_trampoline_lowered:
0x8: {  	[smem:$0x3FA6] =	sst s0  }
0x9: {  	[smem:$0x3FA7] =	sst s1  }
0xa: {  	[smem:$0x3FA8] =	sst s2  }
0xb: {  	[smem:$0x3FA9] =	sst s3  }
0xc: {  	[smem:$0x3FAA] =	sst s4  }
0xd: {  	[smem:$0x3FAB] =	sst s5  }
0xe: {  	[smem:$0x3FAC] =	sst s6  }
0xf: {  	[smem:$0x3FAD] =	sst s7  }
0x10: {  	[smem:$0x3FAE] =	sst s8  }
0x11: {  	[smem:$0x3FAF] =	sst s9;
	s0 =	simm.s32 @!p0 $0x0  }
0x12: {  	s1 =	sld [smem:$0x3F95];
	s0 =	simm.s32 @p0 $0x1  }
0x13: {  	[smem:$0x3FB0] =	sst s0;
	s0 =	simm.s32 @!p1 $0x0  }
0x14: {  	s2 =	sld [smem:$0x3F94];
	s0 =	simm.s32 @p1 $0x1  }
0x15: {  	[smem:$0x3FB1] =	sst s0;
	s0 =	simm.s32 @!p2 $0x0  }
0x16: {  	s3 =	sld [smem:$0x3FDB];
	s0 =	simm.s32 @p2 $0x1  }
0x17: {  	s4 =	simm.s32 $0x1BF5;
	[smem:$0x3FB3] =	sst s0  }
0x18: {  	s0 =	sld [smem:$0x3F96];
	_ =	swait.ge [sflag:s4], $0x0  }
0x19: {  	s7 =	sld [smem:$0x3F97]  }
0x1a: {  	s8 =	sadd.s32 $0xFFFFE003, lr  }
0x1b: {  	s9 =	sadd.s32 $0xFFFFFEF7, lr;
	s5 =	simm.s32 $0xFFFFFFFF;
	p2 =	slt.u32 s8, $0xFFFFF086  }
0x1c: {  	p1 =	slt.u32 s9, $0xF7A;
	s5 =	simm.s32 @!p2 $0x0  }
0x1d: {  	s5 =	simm.s32 @p1 $0x1;
	p0 =	seq.s32 s7, s2  }
0x1e: {  	s7 =	smul.u32 @!p0 $0xF7A, s2;
	p2 =	seq.s32 @!p0 s5, $0x0  }
0x1f: {  	s9 =	smul.u32 $0xF7A, s1;
	s8 =	simm.s32 @!p0 $0x1BF5;
	p2 =	por !p2, p0  }
0x20: {  	[sflag:s8] =	ssyncset.s32 @!p0 $0xFFFFF086;
	s6 =	sadd.s32 @!p0 s3, s7;
	s7 =	simm.s32 @!p0 $0x108  }
0x21: {  	s3 =	sadd.s32 s3, s9;
	s6 =	sadd.s32 @!p0 $0x88, s6;
	s7 =	simm.s32 @p2 $0x1082  }
0x22: {  	[simem:s7], [sflag:s8] =	dma.local @!p0 [hbm:s6], $0xF7A  }
0x23: {  	s9 =	sor.u32 $0xD0000000, s2;
	s6 =	simm.s32 $0x108;
	_ =	swait.ge @!p0 [sflag:s8], $0x0  }
0x24: {  	s3 =	sadd.s32 $0x88, s3;
	s6 =	simm.s32 @!p1 $0x1082;
	[sflag:s4] =	ssyncset.s32 $0xFFFFF086  }
0x25: {  	[simem:s6], [sflag:s4] =	dma.local [hbm:s3], $0xF7A  }
0x26: {  	[smem:$0x3F97] =	sst s1;
	(tag) =	ssettag s2;
	_ =	strace s9  }
0x27: {  	s1 =	sld [smem:$0x3FA7]  }
0x28: {  	s2 =	sld [smem:$0x3FA8]  }
0x29: {  	s4 =	sld [smem:$0x3FAA]  }
0x2a: {  	p0 =	seq.s32 s5, $0x0;
	s5 =	sld [smem:$0x3FAB]  }
0x2b: {  	s6 =	sld [smem:$0x3FAC]  }
0x2c: {  	s7 =	sld [smem:$0x3FAD]  }
0x2d: {  	s3 =	simm.s32 $0x108;
	s8 =	sld [smem:$0x3FAE]  }
0x2e: {  	s3 =	simm.s32 @!p0 $0x1082;
	s9 =	sld [smem:$0x3FAF]  }
0x2f: {  	lr =	sadd.s32 s0, s3;
	s0 =	sld [smem:$0x3FA6]  }
0x30: {  	s3 =	sld [smem:$0x3FA9]  }
0x31: {  	[smem:$0x3FB2] =	sst s10  }
0x32: {  	s10 =	sld [smem:$0x3FB0];
	_ =	sdelay $0x3  }
0x33: {  	p0 =	seq.s32 s10, $0x1;
	s10 =	sld [smem:$0x3FB2];
	_ =	sdelay $0x3  }
0x34: {  	[smem:$0x3FB2] =	sst s10  }
0x35: {  	s10 =	sld [smem:$0x3FB1];
	_ =	sdelay $0x3  }
0x36: {  	p1 =	seq.s32 s10, $0x1;
	s10 =	sld [smem:$0x3FB2];
	_ =	sdelay $0x3  }
0x37: {  	[smem:$0x3FB2] =	sst s10  }
0x38: {  	s10 =	sld [smem:$0x3FB3]  }
0x39: {  	_ = 	snop;
	(pc) =	sbr.ind lr, $3  }
0x3a: {  	_ = 	snop  }
0x3b: {  	_ = 	snop  }
0x3c: {  	p2 =	seq.s32 s10, $0x1;
	s10 =	sld [smem:$0x3FB2]  }
0x3d: {  	_ =	shalt  }
0x3e: {  	_ =	shalt  }
0x3f: {  	_ =	shalt  }
0x40: {  	_ =	shalt  }
0x41: {  	_ =	shalt  }
0x42: {  	_ =	shalt  }
0x43: {  	_ =	shalt  }
0x44: {  	_ =	shalt  }
0x45: {  	_ =	shalt  }
0x46: {  	_ =	shalt  }
0x47: {  	_ =	shalt  }
0x48: {  	_ =	shalt  }
0x49: {  	_ =	shalt  }
0x4a: {  	_ =	shalt  }
0x4b: {  	_ =	shalt  }
0x4c: {  	_ =	shalt  }
0x4d: {  	_ =	shalt  }
0x4e: {  	_ =	shalt  }
0x4f: {  	_ =	shalt  }
0x50: {  	_ =	shalt  }
0x51: {  	_ =	shalt  }
0x52: {  	_ =	shalt  }
0x53: {  	_ =	shalt  }
0x54: {  	_ =	shalt  }
0x55: {  	_ =	shalt  }
0x56: {  	_ =	shalt  }
0x57: {  	_ =	shalt  }
0x58: {  	_ =	shalt  }
0x59: {  	_ =	shalt  }
0x5a: {  	_ =	shalt  }
0x5b: {  	_ =	shalt  }
0x5c: {  	_ =	shalt  }
0x5d: {  	_ =	shalt  }
0x5e: {  	_ =	shalt  }
0x5f: {  	_ =	shalt  }
0x60: {  	_ =	shalt  }
0x61: {  	_ =	shalt  }
0x62: {  	_ =	shalt  }
0x63: {  	_ =	shalt  }
0x64: {  	_ =	shalt  }
0x65: {  	_ =	shalt  }
0x66: {  	_ =	shalt  }
0x67: {  	_ =	shalt  }
0x68: {  	_ =	shalt  }
0x69: {  	_ =	shalt  }
0x6a: {  	_ =	shalt  }
0x6b: {  	_ =	shalt  }
0x6c: {  	_ =	shalt  }
0x6d: {  	_ =	shalt  }
0x6e: {  	_ =	shalt  }
0x6f: {  	_ =	shalt  }
0x70: {  	_ =	shalt  }
0x71: {  	_ =	shalt  }
0x72: {  	_ =	shalt  }
0x73: {  	_ =	shalt  }
0x74: {  	_ =	shalt  }
0x75: {  	_ =	shalt  }
0x76: {  	_ =	shalt  }
0x77: {  	_ =	shalt  }
0x78: {  	_ =	shalt  }
0x79: {  	_ =	shalt  }
0x7a: {  	_ =	shalt  }
0x7b: {  	_ =	shalt  }
0x7c: {  	_ =	shalt  }
0x7d: {  	_ =	shalt  }
0x7e: {  	_ =	shalt  }
0x7f: {  	_ =	shalt  }
0x80: {  	_ =	shalt  }
0x81: {  	_ =	shalt  }
0x82: {  	_ =	shalt  }
0x83: {  	_ =	shalt  }
0x84: {  	_ =	shalt  }
0x85: {  	_ =	shalt  }
0x86: {  	_ =	shalt  }
0x87: {  	_ =	shalt  }
.Lfunc_end0:
.L_simem_size_0:
called_computation.3_lowered:
.L_overlay_start_0:
0x88: {  	s2 =	sld [smem:$0x3FD9]  }
0x89: {  	s3 =	sld [smem:$0x3FFE];
	_ =	sdelay $0x1  }
0x8a: {  	s1 =	srdreg.scid  }
0x8b: {  	s0 =	sand.u32 $0x1, s1  }
0x8c: {  	s16 =	sshll.u32 s0, $0xA;
	s2 =	sadd.s32 s3, s2  }
0x8d: {  	s2 =	sadd.s32 s2, s16  }
0x8e: {  	[smem:$0x3FBE] =	sst s2  }
0x8f: {  	_ = 	snop  }
0x90: {  	(tm) =	ssettm $0x1  }
0x91: {  	s17 =	sld [smem:$0x3FFB];
	_ =	sdelay $0x3  }
0x92: {  	_ =	strace s17  }
0x93: {  	s2 =	sld [smem:$0x3FFC];
	_ =	sdelay $0x3  }
0x94: {  	_ =	strace s2  }
0x95: {  	s2 =	sld [smem:$0x3FFD];
	_ =	sdelay $0x3  }
0x96: {  	_ =	strace s2  }
0x97: {  	_ =	strace $0x8FFFFFFF  }
0x98: {  	s18 =	sld [smem:$0x3FDB];
	_ =	sdelay $0x1  }
0x99: {  	s19 =	simm.s32 $_scs_section_size  }
0x9a: {  	s4 =	simm.s32 $_size__tile_overlayer_lowered;
	s5 =	simm.s32 $_tile_overlayer_lowered  }
0x9b: {  	s22 =	simm.s32 $0x1BFF;
	s21 =	sshll.u32 s5, $0x1;
	s2 =	sadd.s32 s19, s18  }
0x9c: {  	s6 =	simm.s32 $0x0;
	s20 =	sshll.u32 s4, $0x1;
	s4 =	sadd.s32 s21, s2  }
0x9d: {  	[timem:s6], [sflag:s22] =	dma.local [hbm:s4], s20  }
0x9e: {  	_ =	swait.ge [sflag:s22], s20  }
0x9f: {  	s3 =	ssub.s32 $0x0, s20;
	[sflag:s22] =	ssyncset.done $0x0  }
0xa0: {  	[sflag:s22] =	ssyncadd.s32 s3;
	_ =	sdelay $0x1  }
0xa1: {  	s23 =	simm.s32 $0x1B8B  }
0xa2: {  	_ =	swait.ge [sflag:s23], $0x1  }
0xa3: {  	[sflag:s23] =	ssyncset.done $0x0  }
0xa4: {  	s25 =	simm.s32 $0x1B8E;
	s24 =	sld [smem:$0x3FFE];
	[sflag:s23] =	ssyncadd.s32 $0xFFFFFFFF  }
0xa5: {  	s26 =	simm.s32 $execute0_lowered;
	[smem:$0x3FD2] =	sst s25  }
0xa6: {  	s4 =	sshll.u32 s26, $0x1;
	_ =	strace $0x8000004F;
	[dreg:$0x1] =	wrdreg $0xFFFFFFFF  }
0xa7: {  	s28 =	simm.s32 $_size_execute0_lowered;
	s2 =	sadd.s32 s2, s4;
	[dreg:$0x0] =	wrdreg $0x0  }
0xa8: {  	s4 =	sshll.u32 s28, $0x1;
	[dreg:$0x2] =	wrdreg s2  }
0xa9: {  	[dreg:$0x3] =	wrdreg s4  }
0xaa: {  	[dreg:$0x4] =	wrdreg $0xC0  }
0xab: {  	_ =	task [dreg:s6], $0x5FFFF  }
0xac: {  	[dreg:$0x1] =	wrdreg $0xFFFFFFFF  }
0xad: {  	[dreg:$0x0] =	wrdreg $0x60  }
0xae: {  	[dreg:$0x2] =	wrdreg s24  }
0xaf: {  	[dreg:$0x3] =	wrdreg $0x41000  }
0xb0: {  	[dreg:$0x4] =	wrdreg $0x9  }
0xb1: {  	_ =	task.clear_ibuf [dreg:s6], $0x5FFFF;
	_ =	strace $0x9000004F  }
0xb2: {  	s29 =	simm.s32 $0x9;
	_ =	strace $0x80000051  }
0xb3: {  	_ =	swait.ge [sflag:s29], $0x1  }
0xb4: {  	[sflag:s29] =	ssyncadd.s32 $0xFFFFFFFF  }
0xb5: {  	_ =	strace $0x90000051  }
0xb6: {  	_ =	sfence  }
0xb7: {  	s30 =	sld [smem:$0x0];
	_ =	sdelay $0x2  }
0xb8: {  	s31 =	sshll.u32 s1, $0xD;
	s1 =	sshrl.u32 s1, $0x2  }
0xb9: {  	s3 =	sand.u32 $0x4000, s31;
	s1 =	sadd.s32 s1, s30  }
0xba: {  	s0 =	sor.u32 s3, s0;
	s1 =	sshll.u32 s1, $0x11  }
0xbb: {  	s0 =	sor.u32 s1, s0  }
0xbc: {  	s0 =	sadd.s32 $0x8F2B, s0  }
0xbd: {  	[sflag:s0] =	ssyncadd.remote.s32 $0x1  }
0xbe: {  	_ =	sfence.sel $0xFFFF  }
0xbf: {  	[dreg:$0x0] =	wrdreg $0xFFFFFFFF;
	(pc) =	sbr.abs _section_cstart, $3  }
0xc0: {  	[dreg:$0x1] =	wrdreg $0xFFFFFFFF  }
0xc1: {  	_ =	task.clear_ibuf [dreg:s6], $0x2FFFF;
	_ =	strace $0x9FFFFFFF  }
0xc2: {  	(tm) =	ssettm $0x7FFFFFFF  }
0xc3: {  	_ =	shalt  }
tec
execute0_lowered:
.L_overlay_start_1:
0x0: {  	(tag) =	ssettag $0x1  }
0x1: {  	s6 =	rddreg [dreg:$0x0];
	s0 =	srdreg.scid  }
0x2: {  	s2 =	rddreg [dreg:$0x1];
	s1 =	stileid.u32;
	s3 =	simm.s32 $0x0  }
0x3: {  	s14 =	simm.s32 $0x100;
	s15 =	simm.s32 $0x1;
	s8 =	smul.u32 $0x14000, s1  }
0x4: {  	s7 =	sand.u32 $0x1, s0;
	s0 =	rddreg [dreg:$0x2];
	s10 =	smul.u32 $0x50000, s1  }
0x5: {  	s16 =	simm.s32 $0x0;
	[smem:$0x7FF] =	sst s3;
	s11 =	smul.u32 $0x4F0, s1  }
0x6: {  	s4 =	sadd.s32 $0x19200, s6;
	s30 =	sshll.u32 s1, $0x6;
	s5 =	smul.u32 $0x140000, s7  }
0x7: {  	s9 =	smul.u32 $0x4F00, s7;
	_ =	strace $0x80000050;
	s29 =	ssub.s32 $0x2, s7  }
0x8: {  	s7 =	sshrl.u32 s29, $0x1;
	s10 =	sshrl.u32 s10, $0x2;
	s5 =	sadd.s32 s8, s5  }
0x9: {  	s26 =	sadd.s32 s9, s6;
	s12 =	ssub.s32 s29, s7;
	s13 =	sadd.s32 s10, s2  }
0xa: {  	s28 =	sshrl.u32 s5, $0x3;
	s5 =	sadd.s32 $0x16A00, s6;
	s31 =	sadd.s32 s11, s26  }
0xb: {  	s8 =	smax.u32 s12, $0x1;
	s11 =	sshrl.u32 s13, $0x3;
	s12 =	simm.s32 $0x2  }
0xc: {  	s13 =	simm.s32 $0x80;
	s9 =	sadd.s32 s28, s6;
	s6 =	sor.u32 $0x1C02, s30  }
0xd: {  	s10 =	sadd.s32 $0xCC00, s31;
	s7 =	sadd.s32 $0x41200, s9;
	s9 =	sadd.s32 $0x2E00, s31  }
.LBB2_1:
0xe: {  	[spmem:s11], [sflag:s6] =	dma.local [hbm:s5], $0x2800  }
0xf: {  	_ =	swait.ge [sflag:s12], $0x2800  }
0x10: {  	[sflag:s12] =	ssyncset.done $0x0  }
0x11: {  	[sflag:s12] =	ssyncadd.s32 $0xFFFFD800  }
0x12: {  	s17 =	sadd.s32 $0x0, s10;
	[bflag:$0x0] =	sbarrier.arrive $0xFFFF  }
0x13: {  	[tilespmem:s3], [sflag:$0x2] =	stream.linear.gather [hbm4b:s17+s3], $0x80, $0x38;
	[tilespmem:$0x18100] =	vst v63  }
0x14: {  	_ =	swait.ge [sflag:s12], $0x80  }
0x15: {  	[sflag:s12] =	ssyncset.done $0x0  }
0x16: {  	s31 =	sadd.s32 $0x0, s9;
	[sflag:s12] =	ssyncadd.s32 $0xFFFFFF80  }
0x17: {  	[tilespmem:s13], [sflag:$0x2] =	stream.linear.gather [hbm4b:s31+s3], $0x80, $0x38;
	[tilespmem:$0x18100] =	vst v63  }
0x18: {  	_ =	swait.ge [sflag:s12], $0x80  }
0x19: {  	[sflag:s12] =	ssyncset.done $0x0  }
0x1a: {  	[sflag:s12] =	ssyncadd.s32 $0xFFFFFF80  }
0x1b: {  	[tilespmem:s14], [sflag:$0x1] =	stream.indirect.gather [hbm4b:s4+s13], $0x80, s3, s13, $0xb8;
	[tilespmem:$0x18100] =	vst v63  }
0x1c: {  	_ =	swait.ge [sflag:s15], $0x4000  }
0x1d: {  	[sflag:s15] =	ssyncset.done $0x0  }
0x1e: {  	[sflag:s15] =	ssyncadd.s32 $0xFFFFC000  }
0x1f: {  	[spmem:s2] =	stream.indirect.scatter.add.f32 [tilespmem:s14], [sflag:$0x2], $0x80, s13, s13, $0xb8;
	[tilespmem:$0x18100] =	vst v63  }
0x20: {  	_ =	swait.ge [sflag:s12], $0x4000  }
0x21: {  	s18 =	simm.s32 $0x20;
	s17 =	simm.s32 $0x10;
	[sflag:s12] =	ssyncset.done $0x0  }
.LBB2_2:
0x22: {  	s19 =	sadd.s32 s17, s10  }
0x23: {  	[sflag:s12] =	ssyncadd.s32 $0xFFFFC000;
	s20 =	smov.u32 s18;
	s21 =	sadd.s32 $0x10, s18  }
0x24: {  	[tilespmem:s3], [sflag:$0x2] =	stream.linear.gather [hbm4b:s19+s3], $0x80, $0x38;
	[tilespmem:$0x18100] =	vst v63  }
0x25: {  	p0 =	sne.s32 s18, $0x4E0;
	_ =	swait.ge [sflag:s12], $0x80  }
0x26: {  	[sflag:s12] =	ssyncset.done $0x0  }
0x27: {  	s18 =	sadd.s32 s17, s9;
	s17 =	smov.u32 s20;
	[sflag:s12] =	ssyncadd.s32 $0xFFFFFF80  }
0x28: {  	[tilespmem:s13], [sflag:$0x2] =	stream.linear.gather [hbm4b:s18+s3], $0x80, $0x38;
	[tilespmem:$0x18100] =	vst v63  }
0x29: {  	_ =	swait.ge [sflag:s12], $0x80  }
0x2a: {  	[sflag:s12] =	ssyncset.done $0x0  }
0x2b: {  	[sflag:s12] =	ssyncadd.s32 $0xFFFFFF80  }
0x2c: {  	[tilespmem:s14], [sflag:$0x1] =	stream.indirect.gather [hbm4b:s4+s13], $0x80, s3, s13, $0xb8;
	[tilespmem:$0x18100] =	vst v63  }
0x2d: {  	_ =	swait.ge [sflag:s15], $0x4000  }
.Ltmp0:
0x2e: {  	[sflag:s15] =	ssyncset.done $0x0;
	(pc) =	sbr.rel @p0 .LBB2_2-.Ltmp0, $4  }
0x2f: {  	[sflag:s15] =	ssyncadd.s32 $0xFFFFC000  }
0x30: {  	[spmem:s2] =	stream.indirect.scatter.add.f32 [tilespmem:s14], [sflag:$0x2], $0x80, s13, s13, $0xb8;
	[tilespmem:$0x18100] =	vst v63  }
0x31: {  	_ =	swait.ge [sflag:s12], $0x4000  }
0x32: {  	s18 =	smov.u32 s21;
	[sflag:s12] =	ssyncset.done $0x0  }
0x33: {  	s18 =	sadd.s32 s17, s10;
	[sflag:s12] =	ssyncadd.s32 $0xFFFFC000  }
0x34: {  	[tilespmem:s3], [sflag:$0x2] =	stream.linear.gather [hbm4b:s18+s3], $0x80, $0x38;
	[tilespmem:$0x18100] =	vst v63  }
0x35: {  	_ =	swait.ge [sflag:s12], $0x80  }
0x36: {  	[sflag:s12] =	ssyncset.done $0x0  }
0x37: {  	s31 =	sadd.s32 s17, s9;
	[sflag:s12] =	ssyncadd.s32 $0xFFFFFF80  }
0x38: {  	[tilespmem:s13], [sflag:$0x2] =	stream.linear.gather [hbm4b:s31+s3], $0x80, $0x38;
	[tilespmem:$0x18100] =	vst v63  }
0x39: {  	_ =	swait.ge [sflag:s12], $0x80  }
0x3a: {  	[sflag:s12] =	ssyncset.done $0x0  }
0x3b: {  	[sflag:s12] =	ssyncadd.s32 $0xFFFFFF80  }
0x3c: {  	[tilespmem:s14], [sflag:$0x1] =	stream.indirect.gather [hbm4b:s4+s13], $0x80, s3, s13, $0xb8;
	[tilespmem:$0x18100] =	vst v63  }
0x3d: {  	_ =	swait.ge [sflag:s15], $0x4000  }
0x3e: {  	[sflag:s15] =	ssyncset.done $0x0  }
0x3f: {  	[sflag:s15] =	ssyncadd.s32 $0xFFFFC000  }
0x40: {  	[spmem:s2] =	stream.indirect.scatter.add.f32 [tilespmem:s14], [sflag:$0x2], $0x80, s13, s13, $0xb8;
	[tilespmem:$0x18100] =	vst v63  }
0x41: {  	_ =	swait.ge [sflag:s12], $0x4000  }
0x42: {  	s16 =	sadd.s32 $0x1, s16;
	[sflag:s12] =	ssyncset.done $0x0  }
0x43: {  	p0 =	sne.s32 s16, s8;
	[sflag:s12] =	ssyncadd.s32 $0xFFFFC000  }
.Ltmp1:
0x44: {  	[bflag:$0x0] =	sbarrier.arrive $0xFFFF;
	(pc) =	sbr.rel @p0 .LBB2_1-.Ltmp1, $4  }
0x45: {  	[hbm:s7], [sflag:s6] =	dma.local [spmem:s11], $0x2800  }
0x46: {  	_ =	swait.ge [sflag:s12], $0x2800  }
0x47: {  	[sflag:s12] =	ssyncset.done $0x0  }
0x48: {  	[sflag:s12] =	ssyncadd.s32 $0xFFFFD800  }
0x49: {  	_ =	sfence.sel $0x180000  }
0x4a: {  	[bflag:$0x0] =	sbarrier.arrive $0xFFFF  }
0x4b: {  	p0 =	sne.s32 s1, $0x0;
	_ =	strace $0x90000050  }
0x4c: {  	s0 =	sadd.s32 @!p0 $0x100000, s0;
	[bflag:$0x2] =	sbarrier.arrive $0xFFFF  }
0x4d: {  	[sflag:s0] =	ssyncadd.tile.s32 @!p0 $0x1;
	_ =	shalt  }
.Lfunc_end2:
_tile_overlayer_lowered:
.L_overlay_start_2:
0x4e: {  	(tag) =	ssettag $0x2  }
0x4f: {  	s0 =	rddreg [dreg:$0x0];
	s2 =	stileid.u32  }
0x50: {  	s1 =	rddreg [dreg:$0x1];
	p0 =	sne.s32 s2, $0x0  }
0x51: {  	s3 =	rddreg [dreg:$0x2];
	[bflag:$0x3] =	sbarrier.arrive $0xFFFF;
	s2 =	simm.s32 @!p0 $0x1C02  }
0x52: {  	[timem:s3], [sflag:s2] =	dma.local @!p0 [hbm:s0], s1  }
0x53: {  	s0 =	simm.s32 @!p0 $0x2  }
0x54: {  	_ =	swait.ge @!p0 [sflag:s0], s1  }
0x55: {  	s1 =	ssub.s32 @!p0 $0x0, s1;
	[sflag:s0] =	ssyncset.done @!p0 $0x0  }
0x56: {  	[sflag:s0] =	ssyncadd.s32 @!p0 s1  }
0x57: {  	[bflag:$0x3] =	sbarrier.arrive $0xFFFF  }
0x58: {  	_ =	shalt  }

</sc_bundles>
